<compile_context>
chip_gen: v7x
topology: tpu7x:2x2x1
jax: 0.10.2.dev20260603
libtpu: 0.0.44.dev20260713+nightly
codegen_flags: <defaults>
</compile_context>

<pallas_src>
import functools

import jax
import jax.numpy as jnp
from jax import lax
from jax.experimental import pallas as pl
from jax.experimental.pallas import tpu as pltpu
from jax.experimental.pallas import tpu_sc as plsc

N = 10000
NPAD = 10240
E = 320000
NC, NS = 2, 16
NW = NC * NS
CHUNK = 128
NCHUNK = 80
EW = CHUNK * NCHUNK
EPAD = EW * NW
STRIPE = NPAD // NS
JUNK = NPAD - N

_MESH = plsc.VectorSubcoreMesh(
    core_axis_name="c", subcore_axis_name="s", num_cores=NC, num_subcores=NS)
_SC_PARAMS = pltpu.CompilerParams(use_tc_tiling_on_sc=False)


def _seg_body(src_hbm, dst_hbm, attr_hbm, z1_hbm, deg_out, xe_out,
              src_v, dst_v, attr_v, ones_v, deg_sh, xe_sh):
    c = lax.axis_index("c")
    s = lax.axis_index("s")
    wid = c * NS + s
    row = pl.ds(s * STRIPE, STRIPE)
    pltpu.sync_copy(z1_hbm.at[row], deg_sh.at[row])
    pltpu.sync_copy(z1_hbm.at[row], xe_sh.at[row])
    pltpu.sync_copy(src_hbm.at[wid], src_v)
    pltpu.sync_copy(dst_hbm.at[wid], dst_v)
    pltpu.sync_copy(attr_hbm.at[wid], attr_v)
    for i in range(CHUNK // 16):
        ones_v[pl.ds(i * 16, 16)] = jnp.full((16,), 1.0, jnp.float32)
    plsc.subcore_barrier()

    def step(j, carry):
        pltpu.sync_copy(ones_v, deg_sh.at[dst_v.at[j]], add=True)
        pltpu.sync_copy(attr_v.at[j], xe_sh.at[src_v.at[j]], add=True)
        return carry

    lax.fori_loop(0, NCHUNK, step, 0)
    plsc.subcore_barrier()
    pltpu.sync_copy(deg_sh.at[row], deg_out.at[c, row])
    pltpu.sync_copy(xe_sh.at[row], xe_out.at[c, row])


@functools.partial(
    pl.kernel,
    out_type=(jax.ShapeDtypeStruct((NC, NPAD), jnp.float32),
              jax.ShapeDtypeStruct((NC, NPAD), jnp.float32)),
    mesh=_MESH,
    scratch_types=[
        pltpu.VMEM((NCHUNK, CHUNK), jnp.int32),
        pltpu.VMEM((NCHUNK, CHUNK), jnp.int32),
        pltpu.VMEM((NCHUNK, CHUNK), jnp.float32),
        pltpu.VMEM((CHUNK,), jnp.float32),
        pltpu.VMEM_SHARED((NPAD,), jnp.float32),
        pltpu.VMEM_SHARED((NPAD,), jnp.float32),
    ],
    compiler_params=_SC_PARAMS,
)
def _seg(src_hbm, dst_hbm, attr_hbm, z1_hbm, deg_out, xe_out, *scratch):
    _seg_body(src_hbm, dst_hbm, attr_hbm, z1_hbm, deg_out, xe_out, *scratch)


def _conv_body(width, src_hbm, dst_hbm, hs_hbm, z_hbm, s_out,
               src_v, dst_v, rows_v, sem, acc_sh):
    c = lax.axis_index("c")
    s = lax.axis_index("s")
    wid = c * NS + s
    row = pl.ds(s * STRIPE, STRIPE)
    pltpu.sync_copy(z_hbm.at[row], acc_sh.at[row])
    pltpu.sync_copy(src_hbm.at[wid], src_v)
    pltpu.sync_copy(dst_hbm.at[wid], dst_v)
    plsc.subcore_barrier()

    def step(j, carry):
        pltpu.async_copy(hs_hbm.at[src_v.at[j]], rows_v, sem).wait()
        pltpu.sync_copy(rows_v, acc_sh.at[dst_v.at[j]], add=True)
        return carry

    lax.fori_loop(0, NCHUNK, step, 0)
    plsc.subcore_barrier()
    pltpu.sync_copy(acc_sh.at[row], s_out.at[c, row])


def _make_conv(width):
    if width == 1:
        out_t = jax.ShapeDtypeStruct((NC, NPAD), jnp.float32)
        rows_t = pltpu.VMEM((CHUNK,), jnp.float32)
        acc_t = pltpu.VMEM_SHARED((NPAD,), jnp.float32)
    else:
        out_t = jax.ShapeDtypeStruct((NC, NPAD, width), jnp.float32)
        rows_t = pltpu.VMEM((CHUNK, width), jnp.float32)
        acc_t = pltpu.VMEM_SHARED((NPAD, width), jnp.float32)

    @functools.partial(
        pl.kernel,
        out_type=out_t,
        mesh=_MESH,
        scratch_types=[
            pltpu.VMEM((NCHUNK, CHUNK), jnp.int32),
            pltpu.VMEM((NCHUNK, CHUNK), jnp.int32),
            rows_t,
            pltpu.SemaphoreType.DMA,
            acc_t,
        ],
        compiler_params=_SC_PARAMS,
    )
    def conv(src_hbm, dst_hbm, hs_hbm, z_hbm, s_out, *scratch):
        _conv_body(width, src_hbm, dst_hbm, hs_hbm, z_hbm, s_out, *scratch)

    return conv


_conv32 = _make_conv(32)
_conv1 = _make_conv(1)



_RB = 512
_GRID = NPAD // _RB


def _tc_a_body(x_ref, deg2_ref, xe2_ref, w1a_ref, w1b_ref,
               dinv_ref, xe_ref, hs1_ref):
    deg = deg2_ref[0] + deg2_ref[1] + 1.0
    dinv = lax.rsqrt(deg)
    xe = xe2_ref[0] + xe2_ref[1]
    h = jnp.dot(x_ref[...], w1a_ref[...],
                preferred_element_type=jnp.float32) + xe * w1b_ref[...]
    dinv_ref[...] = dinv
    xe_ref[...] = xe
    hs1_ref[...] = dinv * h


_tc_a = pl.pallas_call(
    _tc_a_body,
    grid=(_GRID,),
    in_specs=[
        pl.BlockSpec((_RB, 128), lambda i: (i, 0)),
        pl.BlockSpec((NC, _RB, 1), lambda i: (0, i, 0)),
        pl.BlockSpec((NC, _RB, 1), lambda i: (0, i, 0)),
        pl.BlockSpec((128, 32), lambda i: (0, 0)),
        pl.BlockSpec((1, 32), lambda i: (0, 0)),
    ],
    out_specs=[
        pl.BlockSpec((_RB, 1), lambda i: (i, 0)),
        pl.BlockSpec((_RB, 1), lambda i: (i, 0)),
        pl.BlockSpec((_RB, 32), lambda i: (i, 0)),
    ],
    out_shape=[
        jax.ShapeDtypeStruct((NPAD, 1), jnp.float32),
        jax.ShapeDtypeStruct((NPAD, 1), jnp.float32),
        jax.ShapeDtypeStruct((NPAD, 32), jnp.float32),
    ],
)


def _tc_b_body(s2_ref, hs_ref, dinv_ref, w_ref, b_ref, out_ref, hsn_ref):
    dinv = dinv_ref[...]
    out = dinv * (s2_ref[0] + s2_ref[1] + hs_ref[...]) + b_ref[...]
    out_ref[...] = out
    hsn_ref[...] = dinv * jnp.dot(out, w_ref[...],
                                  preferred_element_type=jnp.float32)


def _make_tc_b(w_out):
    return pl.pallas_call(
        _tc_b_body,
        grid=(_GRID,),
        in_specs=[
            pl.BlockSpec((NC, _RB, 32), lambda i: (0, i, 0)),
            pl.BlockSpec((_RB, 32), lambda i: (i, 0)),
            pl.BlockSpec((_RB, 1), lambda i: (i, 0)),
            pl.BlockSpec((32, w_out), lambda i: (0, 0)),
            pl.BlockSpec((1, 32), lambda i: (0, 0)),
        ],
        out_specs=[
            pl.BlockSpec((_RB, 32), lambda i: (i, 0)),
            pl.BlockSpec((_RB, w_out), lambda i: (i, 0)),
        ],
        out_shape=[
            jax.ShapeDtypeStruct((NPAD, 32), jnp.float32),
            jax.ShapeDtypeStruct((NPAD, w_out), jnp.float32),
        ],
    )


_tc_b32 = _make_tc_b(32)
_tc_b1 = _make_tc_b(1)


def _tc_final_body(s2_ref, hs_ref, dinv_ref, b_ref, out_ref):
    out_ref[...] = dinv_ref[...] * (s2_ref[0] + s2_ref[1] + hs_ref[...]) + b_ref[...]


_tc_final = pl.pallas_call(
    _tc_final_body,
    grid=(_GRID,),
    in_specs=[
        pl.BlockSpec((NC, _RB, 1), lambda i: (0, i, 0)),
        pl.BlockSpec((_RB, 1), lambda i: (i, 0)),
        pl.BlockSpec((_RB, 1), lambda i: (i, 0)),
        pl.BlockSpec((1, 1), lambda i: (0, 0)),
    ],
    out_specs=pl.BlockSpec((_RB, 1), lambda i: (i, 0)),
    out_shape=jax.ShapeDtypeStruct((NPAD, 1), jnp.float32),
)


def kernel(x, edge_attr, edge_index, W1, b1, W2, b2, W3, b3, W4, b4):
    src, dst = edge_index[0], edge_index[1]
    pad = EPAD - E
    srcp = jnp.concatenate([src, jnp.zeros((pad,), jnp.int32)])
    dstp = jnp.concatenate(
        [dst, N + (jnp.arange(pad, dtype=jnp.int32) % JUNK)])
    attrp = jnp.concatenate([edge_attr[:, 0], jnp.zeros((pad,), jnp.float32)])
    src_r = srcp.reshape(NW, NCHUNK, CHUNK)
    dst_r = dstp.reshape(NW, NCHUNK, CHUNK)
    attr_r = attrp.reshape(NW, NCHUNK, CHUNK)
    z1 = jnp.zeros((NPAD,), jnp.float32)
    z32 = jnp.zeros((NPAD, 32), jnp.float32)
    x_p = jnp.pad(x, ((0, NPAD - N), (0, 0)))

    deg2, xe2 = _seg(src_r, dst_r, attr_r, z1)
    dinv, xe, hs1 = _tc_a(x_p, deg2[:, :, None], xe2[:, :, None],
                          W1[:128], W1[128:129])

    s1 = _conv32(src_r, dst_r, hs1, z32)
    out1, hs2 = _tc_b32(s1, hs1, dinv, W2, b1.reshape(1, 32))
    s2 = _conv32(src_r, dst_r, hs2, z32)
    out2, hs3 = _tc_b32(s2, hs2, dinv, W3, b2.reshape(1, 32))
    s3 = _conv32(src_r, dst_r, hs3, z32)
    out3, hs4 = _tc_b1(s3, hs3, dinv, W4, b3.reshape(1, 32))
    s4 = _conv1(src_r, dst_r, hs4[:, 0], z1)
    out4 = _tc_final(s4[:, :, None], hs4, dinv, b4.reshape(1, 1))

    return jnp.concatenate(
        [x, xe[:N], out1[:N], out2[:N], out3[:N], out4[:N]], axis=1)

# --- scband reference (transcript-rebuilt; emitter-appended) ---
"""Pipeline reference for scband-dgcnn-28518582846358 (READ-ONLY COPY).

The authoritative reference and input builder live on the scoring server;
editing this copy changes nothing except your own understanding.
"""

import jax, jax.numpy as jnp
import numpy as np

N = 10000
E = 320000
D_FEAT = 128
D_EDGE = 1
LATENT = [32, 32, 32, 1]


def gcn_conv(x, src, dst, W, b):
    # PyG-style GCNConv: x' = D^-1/2 (A+I) D^-1/2 (x W) + b
    h = x @ W
    n = x.shape[0]
    loop = jnp.arange(n, dtype=src.dtype)
    s = jnp.concatenate([src, loop])
    d = jnp.concatenate([dst, loop])
    deg = jnp.zeros((n,), h.dtype).at[d].add(1.0)
    dinv = jnp.where(deg > 0, 1.0 / jnp.sqrt(deg), 0.0)
    norm = dinv[s] * dinv[d]
    out = jnp.zeros((n, h.shape[1]), h.dtype).at[d].add(norm[:, None] * h[s])
    return out + b


def setup_inputs(seed: int = 0) -> dict:
    key = jax.random.key(seed)
    ks = jax.random.split(key, 16)
    x = jax.random.normal(ks[0], (N, D_FEAT), dtype=jnp.float32)
    edge_attr = jax.random.normal(ks[1], (E, D_EDGE), dtype=jnp.float32)
    # row-sorted so the per-node cumsum slicing in the torch loop is valid
    edge_index = jnp.sort(jax.random.randint(ks[2], (2, E), 0, N, dtype=jnp.int32), axis=-1)
    dims_in = [D_FEAT + D_EDGE, LATENT[0], LATENT[1], LATENT[2]]
    params = {}
    for i in range(4):
        fan_in = dims_in[i]
        params[f"W{i+1}"] = jax.random.normal(ks[3 + i], (fan_in, LATENT[i]), dtype=jnp.float32) * (1.0 / np.sqrt(fan_in))
        params[f"b{i+1}"] = jnp.zeros((LATENT[i],), dtype=jnp.float32)
    return {"x": x, "edge_attr": edge_attr, "edge_index": edge_index, **params}


def reference(x, edge_attr, edge_index, W1, b1, W2, b2, W3, b3, W4, b4):
    src, dst = edge_index[0], edge_index[1]
    # per-source-node sum of edge attributes (faithful to node_4edge_slice loop,
    # which assumes edge_index[0] sorted; equals a segment-sum scatter-add)
    x_edge = jnp.zeros((x.shape[0], edge_attr.shape[1]), x.dtype).at[src].add(edge_attr)
    x = jnp.concatenate([x, x_edge], axis=1)
    out = gcn_conv(x, src, dst, W1, b1)
    x = jnp.concatenate([x, out], axis=1)
    out = gcn_conv(out, src, dst, W2, b2)
    x = jnp.concatenate([x, out], axis=1)
    out = gcn_conv(out, src, dst, W3, b3)
    x = jnp.concatenate([x, out], axis=1)
    out = gcn_conv(out, src, dst, W4, b4)
    x = jnp.concatenate([x, out], axis=1)
    return x

if __name__ == "__main__":
    import jax
    _d = setup_inputs()
    print(jax.jit(kernel)(*tuple(_d.values())))

</pallas_src>

<mosaic_0001>
#map = affine_map<(d0, d1) -> (0, 0, 0)>
#map1 = affine_map<(d0, d1) -> (0, 0)>
module attributes {stable_mosaic.version = 14 : i64} {
  func.func @conv(%arg0: i32, %arg1: i32, %arg2: memref<32x80x128xi32, #tpu.memory_space<hbm>>, %arg3: memref<32x80x128xi32, #tpu.memory_space<hbm>>, %arg4: memref<10240x32xf32, #tpu.memory_space<hbm>>, %arg5: memref<10240x32xf32, #tpu.memory_space<hbm>>, %arg6: memref<2x10240x32xf32, #tpu.memory_space<hbm>>, %arg7: memref<80x128xi32, #tpu.memory_space<vmem>>, %arg8: memref<80x128xi32, #tpu.memory_space<vmem>>, %arg9: memref<128x32xf32, #tpu.memory_space<vmem>>, %arg10: memref<!tpu.dma_semaphore, #tpu.memory_space<semaphore_mem>>, %arg11: memref<10240x32xf32, #tpu.memory_space<vmem_shared>>) attributes {dimension_semantics = [#tpu.dimension_semantics<core_parallel>, #tpu.dimension_semantics<subcore_parallel>], iteration_bounds = array<i64: 2, 16>, scalar_prefetch = 0 : i64, scratch_operands = 5 : i64, tpu.core_type = #tpu.core_type<sc_vector_subcore>, window_params = [{transform_indices = #map}, {transform_indices = #map}, {transform_indices = #map1}, {transform_indices = #map1}, {transform_indices = #map}]} {
    %mul3A = arith.constant 16 : i32
    %mul3A_0 = arith.muli %arg0, %mul3A : i32
    %add3A = arith.addi %mul3A_0, %arg1 : i32
    %mul3A_1 = arith.constant 640 : i32
    %mul3A_2 = arith.muli %arg1, %mul3A_1 : i32
    "tpu.region"() ({
      %run_scoped3A = tpu.sem_alloc : memref<!tpu.dma_semaphore, #tpu.memory_space<semaphore_mem>>
      %dma_start3A = arith.constant 0 : i32
      %dma_start3A_9 = tpu.memref_slice %arg11[%mul3A_2, %dma_start3A] : memref<10240x32xf32, #tpu.memory_space<vmem_shared>> -> memref<640x32xf32, #tpu.memory_space<vmem_shared>>
      %dma_start3A_10 = arith.constant 0 : i32
      %dma_start3A_11 = tpu.memref_slice %arg5[%mul3A_2, %dma_start3A_10] : memref<10240x32xf32, #tpu.memory_space<hbm>> -> memref<640x32xf32, #tpu.memory_space<hbm>>
      tpu.enqueue_dma source(%dma_start3A_11 : memref<640x32xf32, #tpu.memory_space<hbm>>) target(%dma_start3A_9 : memref<640x32xf32, #tpu.memory_space<vmem_shared>>) target_semaphore(%run_scoped3A : memref<!tpu.dma_semaphore, #tpu.memory_space<semaphore_mem>>)
      %dma_wait3A = arith.constant 0 : i32
      %dma_wait3A_12 = tpu.memref_slice %arg11[%mul3A_2, %dma_wait3A] : memref<10240x32xf32, #tpu.memory_space<vmem_shared>> -> memref<640x32xf32, #tpu.memory_space<vmem_shared>>
      %dma_wait3A_13 = arith.constant 0 : i32
      %dma_wait3A_14 = tpu.memref_slice %arg5[%mul3A_2, %dma_wait3A_13] : memref<10240x32xf32, #tpu.memory_space<hbm>> -> memref<640x32xf32, #tpu.memory_space<hbm>>
      tpu.wait_dma2 semaphore(%run_scoped3A : memref<!tpu.dma_semaphore, #tpu.memory_space<semaphore_mem>>) src(%dma_wait3A_14 : memref<640x32xf32, #tpu.memory_space<hbm>>) dst(%dma_wait3A_12 : memref<640x32xf32, #tpu.memory_space<vmem_shared>>)
      tpu.yield
    }) : () -> ()
    "tpu.region"() ({
      %run_scoped3A = tpu.sem_alloc : memref<!tpu.dma_semaphore, #tpu.memory_space<semaphore_mem>>
      %dma_start3A = arith.constant 0 : i32
      %dma_start3A_9 = arith.constant 0 : i32
      %dma_start3A_10 = tpu.memref_slice %arg2[%add3A, %dma_start3A, %dma_start3A_9] : memref<32x80x128xi32, #tpu.memory_space<hbm>> -> memref<1x80x128xi32, #tpu.memory_space<hbm>>
      %dma_start3A_11 = tpu.memref_squeeze %dma_start3A_10 : memref<1x80x128xi32, #tpu.memory_space<hbm>> -> memref<80x128xi32, #tpu.memory_space<hbm>>
      %dma_start3A_12 = arith.constant 0 : i32
      %dma_start3A_13 = arith.constant 0 : i32
      %dma_start3A_14 = tpu.memref_slice %arg2[%add3A, %dma_start3A_12, %dma_start3A_13] : memref<32x80x128xi32, #tpu.memory_space<hbm>> -> memref<1x80x128xi32, #tpu.memory_space<hbm>>
      %dma_start3A_15 = tpu.memref_squeeze %dma_start3A_14 : memref<1x80x128xi32, #tpu.memory_space<hbm>> -> memref<80x128xi32, #tpu.memory_space<hbm>>
      tpu.enqueue_dma source(%dma_start3A_15 : memref<80x128xi32, #tpu.memory_space<hbm>>) target(%arg7 : memref<80x128xi32, #tpu.memory_space<vmem>>) target_semaphore(%run_scoped3A : memref<!tpu.dma_semaphore, #tpu.memory_space<semaphore_mem>>)
      %dma_wait3A = arith.constant 0 : i32
      %dma_wait3A_16 = arith.constant 0 : i32
      %dma_wait3A_17 = tpu.memref_slice %arg2[%add3A, %dma_wait3A, %dma_wait3A_16] : memref<32x80x128xi32, #tpu.memory_space<hbm>> -> memref<1x80x128xi32, #tpu.memory_space<hbm>>
      %dma_wait3A_18 = tpu.memref_squeeze %dma_wait3A_17 : memref<1x80x128xi32, #tpu.memory_space<hbm>> -> memref<80x128xi32, #tpu.memory_space<hbm>>
      %dma_wait3A_19 = arith.constant 0 : i32
      %dma_wait3A_20 = arith.constant 0 : i32
      %dma_wait3A_21 = tpu.memref_slice %arg2[%add3A, %dma_wait3A_19, %dma_wait3A_20] : memref<32x80x128xi32, #tpu.memory_space<hbm>> -> memref<1x80x128xi32, #tpu.memory_space<hbm>>
      %dma_wait3A_22 = tpu.memref_squeeze %dma_wait3A_21 : memref<1x80x128xi32, #tpu.memory_space<hbm>> -> memref<80x128xi32, #tpu.memory_space<hbm>>
      tpu.wait_dma2 semaphore(%run_scoped3A : memref<!tpu.dma_semaphore, #tpu.memory_space<semaphore_mem>>) src(%dma_wait3A_22 : memref<80x128xi32, #tpu.memory_space<hbm>>) dst(%arg7 : memref<80x128xi32, #tpu.memory_space<vmem>>)
      tpu.yield
    }) : () -> ()
    "tpu.region"() ({
      %run_scoped3A = tpu.sem_alloc : memref<!tpu.dma_semaphore, #tpu.memory_space<semaphore_mem>>
      %dma_start3A = arith.constant 0 : i32
      %dma_start3A_9 = arith.constant 0 : i32
      %dma_start3A_10 = tpu.memref_slice %arg3[%add3A, %dma_start3A, %dma_start3A_9] : memref<32x80x128xi32, #tpu.memory_space<hbm>> -> memref<1x80x128xi32, #tpu.memory_space<hbm>>
      %dma_start3A_11 = tpu.memref_squeeze %dma_start3A_10 : memref<1x80x128xi32, #tpu.memory_space<hbm>> -> memref<80x128xi32, #tpu.memory_space<hbm>>
      %dma_start3A_12 = arith.constant 0 : i32
      %dma_start3A_13 = arith.constant 0 : i32
      %dma_start3A_14 = tpu.memref_slice %arg3[%add3A, %dma_start3A_12, %dma_start3A_13] : memref<32x80x128xi32, #tpu.memory_space<hbm>> -> memref<1x80x128xi32, #tpu.memory_space<hbm>>
      %dma_start3A_15 = tpu.memref_squeeze %dma_start3A_14 : memref<1x80x128xi32, #tpu.memory_space<hbm>> -> memref<80x128xi32, #tpu.memory_space<hbm>>
      tpu.enqueue_dma source(%dma_start3A_15 : memref<80x128xi32, #tpu.memory_space<hbm>>) target(%arg8 : memref<80x128xi32, #tpu.memory_space<vmem>>) target_semaphore(%run_scoped3A : memref<!tpu.dma_semaphore, #tpu.memory_space<semaphore_mem>>)
      %dma_wait3A = arith.constant 0 : i32
      %dma_wait3A_16 = arith.constant 0 : i32
      %dma_wait3A_17 = tpu.memref_slice %arg3[%add3A, %dma_wait3A, %dma_wait3A_16] : memref<32x80x128xi32, #tpu.memory_space<hbm>> -> memref<1x80x128xi32, #tpu.memory_space<hbm>>
      %dma_wait3A_18 = tpu.memref_squeeze %dma_wait3A_17 : memref<1x80x128xi32, #tpu.memory_space<hbm>> -> memref<80x128xi32, #tpu.memory_space<hbm>>
      %dma_wait3A_19 = arith.constant 0 : i32
      %dma_wait3A_20 = arith.constant 0 : i32
      %dma_wait3A_21 = tpu.memref_slice %arg3[%add3A, %dma_wait3A_19, %dma_wait3A_20] : memref<32x80x128xi32, #tpu.memory_space<hbm>> -> memref<1x80x128xi32, #tpu.memory_space<hbm>>
      %dma_wait3A_22 = tpu.memref_squeeze %dma_wait3A_21 : memref<1x80x128xi32, #tpu.memory_space<hbm>> -> memref<80x128xi32, #tpu.memory_space<hbm>>
      tpu.wait_dma2 semaphore(%run_scoped3A : memref<!tpu.dma_semaphore, #tpu.memory_space<semaphore_mem>>) src(%dma_wait3A_22 : memref<80x128xi32, #tpu.memory_space<hbm>>) dst(%arg8 : memref<80x128xi32, #tpu.memory_space<vmem>>)
      tpu.yield
    }) : () -> ()
    %barrier3A = arith.constant 0 : index
    tpu.barrier barrier_id(%barrier3A)
    %scan3A = arith.constant 0 : i32
    %scan3A_3 = arith.constant 0 : i32
    %scan3A_4 = arith.constant 80 : i32
    %scan3A_5 = arith.addi %scan3A_3, %scan3A_4 : i32
    %scan3A_6 = arith.constant 1 : i32
    scf.for %scan3A_9 = %scan3A_3 to %scan3A_5 step %scan3A_6  : i32 {
      %dma_start3A = arith.constant 0 : i32
      %dma_start3A_10 = tpu.memref_slice %arg7[%scan3A_9, %dma_start3A] : memref<80x128xi32, #tpu.memory_space<vmem>> -> memref<1x128xi32, #tpu.memory_space<vmem>>
      %dma_start3A_11 = tpu.memref_squeeze %dma_start3A_10 : memref<1x128xi32, #tpu.memory_space<vmem>> -> memref<128xi32, #tpu.memory_space<vmem>>
      %dma_start3A_12 = arith.constant 0 : i32
      %dma_start3A_13 = arith.constant 0 : i32
      %dma_start3A_14 = tpu.memref_slice %arg4[%dma_start3A_12, %dma_start3A_13] : memref<10240x32xf32, #tpu.memory_space<hbm>> -> memref<10240x32xf32, #tpu.memory_space<hbm>>
      tpu.enqueue_indirect_dma source(%dma_start3A_14 : memref<10240x32xf32, #tpu.memory_space<hbm>>) target(%arg9 : memref<128x32xf32, #tpu.memory_space<vmem>>) offsets(%dma_start3A_11 : memref<128xi32, #tpu.memory_space<vmem>>) semaphore(%arg10 : memref<!tpu.dma_semaphore, #tpu.memory_space<semaphore_mem>>)
      %dma_wait3A = arith.constant 0 : i32
      %dma_wait3A_15 = tpu.memref_slice %arg7[%scan3A_9, %dma_wait3A] : memref<80x128xi32, #tpu.memory_space<vmem>> -> memref<1x128xi32, #tpu.memory_space<vmem>>
      %dma_wait3A_16 = tpu.memref_squeeze %dma_wait3A_15 : memref<1x128xi32, #tpu.memory_space<vmem>> -> memref<128xi32, #tpu.memory_space<vmem>>
      %dma_wait3A_17 = arith.constant 0 : i32
      %dma_wait3A_18 = arith.constant 0 : i32
      %dma_wait3A_19 = tpu.memref_slice %arg4[%dma_wait3A_17, %dma_wait3A_18] : memref<10240x32xf32, #tpu.memory_space<hbm>> -> memref<10240x32xf32, #tpu.memory_space<hbm>>
      tpu.wait_indirect_dma semaphore(%arg10 : memref<!tpu.dma_semaphore, #tpu.memory_space<semaphore_mem>>) src(%dma_wait3A_19 : memref<10240x32xf32, #tpu.memory_space<hbm>>) dst(%arg9 : memref<128x32xf32, #tpu.memory_space<vmem>>)
      "tpu.region"() ({
        %run_scoped3A = tpu.sem_alloc : memref<!tpu.dma_semaphore, #tpu.memory_space<semaphore_mem>>
        %dma_start3A_20 = arith.constant 0 : i32
        %dma_start3A_21 = tpu.memref_slice %arg8[%scan3A_9, %dma_start3A_20] : memref<80x128xi32, #tpu.memory_space<vmem>> -> memref<1x128xi32, #tpu.memory_space<vmem>>
        %dma_start3A_22 = tpu.memref_squeeze %dma_start3A_21 : memref<1x128xi32, #tpu.memory_space<vmem>> -> memref<128xi32, #tpu.memory_space<vmem>>
        %dma_start3A_23 = arith.constant 0 : i32
        %dma_start3A_24 = arith.constant 0 : i32
        %dma_start3A_25 = tpu.memref_slice %arg11[%dma_start3A_23, %dma_start3A_24] : memref<10240x32xf32, #tpu.memory_space<vmem_shared>> -> memref<10240x32xf32, #tpu.memory_space<vmem_shared>>
        tpu.enqueue_indirect_dma source(%arg9 : memref<128x32xf32, #tpu.memory_space<vmem>>) target(%dma_start3A_25 : memref<10240x32xf32, #tpu.memory_space<vmem_shared>>) offsets(%dma_start3A_22 : memref<128xi32, #tpu.memory_space<vmem>>) semaphore(%run_scoped3A : memref<!tpu.dma_semaphore, #tpu.memory_space<semaphore_mem>>) {add = true}
        %dma_wait3A_26 = arith.constant 0 : i32
        %dma_wait3A_27 = tpu.memref_slice %arg8[%scan3A_9, %dma_wait3A_26] : memref<80x128xi32, #tpu.memory_space<vmem>> -> memref<1x128xi32, #tpu.memory_space<vmem>>
        %dma_wait3A_28 = tpu.memref_squeeze %dma_wait3A_27 : memref<1x128xi32, #tpu.memory_space<vmem>> -> memref<128xi32, #tpu.memory_space<vmem>>
        %dma_wait3A_29 = arith.constant 0 : i32
        %dma_wait3A_30 = arith.constant 0 : i32
        %dma_wait3A_31 = tpu.memref_slice %arg11[%dma_wait3A_29, %dma_wait3A_30] : memref<10240x32xf32, #tpu.memory_space<vmem_shared>> -> memref<10240x32xf32, #tpu.memory_space<vmem_shared>>
        tpu.wait_indirect_dma semaphore(%run_scoped3A : memref<!tpu.dma_semaphore, #tpu.memory_space<semaphore_mem>>) src(%arg9 : memref<128x32xf32, #tpu.memory_space<vmem>>) dst(%dma_wait3A_31 : memref<10240x32xf32, #tpu.memory_space<vmem_shared>>)
        tpu.yield
      }) : () -> ()
    }
    %scan3A_7 = arith.constant 80 : i32
    %barrier3A_8 = arith.constant 0 : index
    tpu.barrier barrier_id(%barrier3A_8)
    "tpu.region"() ({
      %run_scoped3A = tpu.sem_alloc : memref<!tpu.dma_semaphore, #tpu.memory_space<semaphore_mem>>
      %dma_start3A = arith.constant 0 : i32
      %dma_start3A_9 = tpu.memref_slice %arg6[%arg0, %mul3A_2, %dma_start3A] : memref<2x10240x32xf32, #tpu.memory_space<hbm>> -> memref<1x640x32xf32, #tpu.memory_space<hbm>>
      %dma_start3A_10 = tpu.memref_squeeze %dma_start3A_9 : memref<1x640x32xf32, #tpu.memory_space<hbm>> -> memref<640x32xf32, #tpu.memory_space<hbm>>
      %dma_start3A_11 = arith.constant 0 : i32
      %dma_start3A_12 = tpu.memref_slice %arg11[%mul3A_2, %dma_start3A_11] : memref<10240x32xf32, #tpu.memory_space<vmem_shared>> -> memref<640x32xf32, #tpu.memory_space<vmem_shared>>
      tpu.enqueue_dma source(%dma_start3A_12 : memref<640x32xf32, #tpu.memory_space<vmem_shared>>) target(%dma_start3A_10 : memref<640x32xf32, #tpu.memory_space<hbm>>) target_semaphore(%run_scoped3A : memref<!tpu.dma_semaphore, #tpu.memory_space<semaphore_mem>>)
      %dma_wait3A = arith.constant 0 : i32
      %dma_wait3A_13 = tpu.memref_slice %arg6[%arg0, %mul3A_2, %dma_wait3A] : memref<2x10240x32xf32, #tpu.memory_space<hbm>> -> memref<1x640x32xf32, #tpu.memory_space<hbm>>
      %dma_wait3A_14 = tpu.memref_squeeze %dma_wait3A_13 : memref<1x640x32xf32, #tpu.memory_space<hbm>> -> memref<640x32xf32, #tpu.memory_space<hbm>>
      %dma_wait3A_15 = arith.constant 0 : i32
      %dma_wait3A_16 = tpu.memref_slice %arg11[%mul3A_2, %dma_wait3A_15] : memref<10240x32xf32, #tpu.memory_space<vmem_shared>> -> memref<640x32xf32, #tpu.memory_space<vmem_shared>>
      tpu.wait_dma2 semaphore(%run_scoped3A : memref<!tpu.dma_semaphore, #tpu.memory_space<semaphore_mem>>) src(%dma_wait3A_16 : memref<640x32xf32, #tpu.memory_space<vmem_shared>>) dst(%dma_wait3A_14 : memref<640x32xf32, #tpu.memory_space<hbm>>)
      tpu.yield
    }) : () -> ()
    return
  }
}

#map = affine_map<(d0, d1) -> (0, 0, 0)>
#map1 = affine_map<(d0, d1) -> (0)>
#map2 = affine_map<(d0, d1) -> (0, 0)>
module attributes {stable_mosaic.version = 14 : i64} {
  func.func @_seg(%arg0: i32, %arg1: i32, %arg2: memref<32x80x128xi32, #tpu.memory_space<hbm>>, %arg3: memref<32x80x128xi32, #tpu.memory_space<hbm>>, %arg4: memref<32x80x128xf32, #tpu.memory_space<hbm>>, %arg5: memref<10240xf32, #tpu.memory_space<hbm>>, %arg6: memref<2x10240xf32, #tpu.memory_space<hbm>>, %arg7: memref<2x10240xf32, #tpu.memory_space<hbm>>, %arg8: memref<80x128xi32, #tpu.memory_space<vmem>>, %arg9: memref<80x128xi32, #tpu.memory_space<vmem>>, %arg10: memref<80x128xf32, #tpu.memory_space<vmem>>, %arg11: memref<128xf32, #tpu.memory_space<vmem>>, %arg12: memref<10240xf32, #tpu.memory_space<vmem_shared>>, %arg13: memref<10240xf32, #tpu.memory_space<vmem_shared>>) attributes {dimension_semantics = [#tpu.dimension_semantics<core_parallel>, #tpu.dimension_semantics<subcore_parallel>], iteration_bounds = array<i64: 2, 16>, scalar_prefetch = 0 : i64, scratch_operands = 6 : i64, tpu.core_type = #tpu.core_type<sc_vector_subcore>, window_params = [{transform_indices = #map}, {transform_indices = #map}, {transform_indices = #map}, {transform_indices = #map1}, {transform_indices = #map2}, {transform_indices = #map2}]} {
    %mul3A = arith.constant 16 : i32
    %mul3A_0 = arith.muli %arg0, %mul3A : i32
    %add3A = arith.addi %mul3A_0, %arg1 : i32
    %mul3A_1 = arith.constant 640 : i32
    %mul3A_2 = arith.muli %arg1, %mul3A_1 : i32
    "tpu.region"() ({
      %run_scoped3A = tpu.sem_alloc : memref<!tpu.dma_semaphore, #tpu.memory_space<semaphore_mem>>
      %dma_start3A = tpu.memref_slice %arg12[%mul3A_2] : memref<10240xf32, #tpu.memory_space<vmem_shared>> -> memref<640xf32, #tpu.memory_space<vmem_shared>>
      %dma_start3A_55 = tpu.memref_slice %arg5[%mul3A_2] : memref<10240xf32, #tpu.memory_space<hbm>> -> memref<640xf32, #tpu.memory_space<hbm>>
      tpu.enqueue_dma source(%dma_start3A_55 : memref<640xf32, #tpu.memory_space<hbm>>) target(%dma_start3A : memref<640xf32, #tpu.memory_space<vmem_shared>>) target_semaphore(%run_scoped3A : memref<!tpu.dma_semaphore, #tpu.memory_space<semaphore_mem>>)
      %dma_wait3A = tpu.memref_slice %arg12[%mul3A_2] : memref<10240xf32, #tpu.memory_space<vmem_shared>> -> memref<640xf32, #tpu.memory_space<vmem_shared>>
      %dma_wait3A_56 = tpu.memref_slice %arg5[%mul3A_2] : memref<10240xf32, #tpu.memory_space<hbm>> -> memref<640xf32, #tpu.memory_space<hbm>>
      tpu.wait_dma2 semaphore(%run_scoped3A : memref<!tpu.dma_semaphore, #tpu.memory_space<semaphore_mem>>) src(%dma_wait3A_56 : memref<640xf32, #tpu.memory_space<hbm>>) dst(%dma_wait3A : memref<640xf32, #tpu.memory_space<vmem_shared>>)
      tpu.yield
    }) : () -> ()
    "tpu.region"() ({
      %run_scoped3A = tpu.sem_alloc : memref<!tpu.dma_semaphore, #tpu.memory_space<semaphore_mem>>
      %dma_start3A = tpu.memref_slice %arg13[%mul3A_2] : memref<10240xf32, #tpu.memory_space<vmem_shared>> -> memref<640xf32, #tpu.memory_space<vmem_shared>>
      %dma_start3A_55 = tpu.memref_slice %arg5[%mul3A_2] : memref<10240xf32, #tpu.memory_space<hbm>> -> memref<640xf32, #tpu.memory_space<hbm>>
      tpu.enqueue_dma source(%dma_start3A_55 : memref<640xf32, #tpu.memory_space<hbm>>) target(%dma_start3A : memref<640xf32, #tpu.memory_space<vmem_shared>>) target_semaphore(%run_scoped3A : memref<!tpu.dma_semaphore, #tpu.memory_space<semaphore_mem>>)
      %dma_wait3A = tpu.memref_slice %arg13[%mul3A_2] : memref<10240xf32, #tpu.memory_space<vmem_shared>> -> memref<640xf32, #tpu.memory_space<vmem_shared>>
      %dma_wait3A_56 = tpu.memref_slice %arg5[%mul3A_2] : memref<10240xf32, #tpu.memory_space<hbm>> -> memref<640xf32, #tpu.memory_space<hbm>>
      tpu.wait_dma2 semaphore(%run_scoped3A : memref<!tpu.dma_semaphore, #tpu.memory_space<semaphore_mem>>) src(%dma_wait3A_56 : memref<640xf32, #tpu.memory_space<hbm>>) dst(%dma_wait3A : memref<640xf32, #tpu.memory_space<vmem_shared>>)
      tpu.yield
    }) : () -> ()
    "tpu.region"() ({
      %run_scoped3A = tpu.sem_alloc : memref<!tpu.dma_semaphore, #tpu.memory_space<semaphore_mem>>
      %dma_start3A = arith.constant 0 : i32
      %dma_start3A_55 = arith.constant 0 : i32
      %dma_start3A_56 = tpu.memref_slice %arg2[%add3A, %dma_start3A, %dma_start3A_55] : memref<32x80x128xi32, #tpu.memory_space<hbm>> -> memref<1x80x128xi32, #tpu.memory_space<hbm>>
      %dma_start3A_57 = tpu.memref_squeeze %dma_start3A_56 : memref<1x80x128xi32, #tpu.memory_space<hbm>> -> memref<80x128xi32, #tpu.memory_space<hbm>>
      %dma_start3A_58 = arith.constant 0 : i32
      %dma_start3A_59 = arith.constant 0 : i32
      %dma_start3A_60 = tpu.memref_slice %arg2[%add3A, %dma_start3A_58, %dma_start3A_59] : memref<32x80x128xi32, #tpu.memory_space<hbm>> -> memref<1x80x128xi32, #tpu.memory_space<hbm>>
      %dma_start3A_61 = tpu.memref_squeeze %dma_start3A_60 : memref<1x80x128xi32, #tpu.memory_space<hbm>> -> memref<80x128xi32, #tpu.memory_space<hbm>>
      tpu.enqueue_dma source(%dma_start3A_61 : memref<80x128xi32, #tpu.memory_space<hbm>>) target(%arg8 : memref<80x128xi32, #tpu.memory_space<vmem>>) target_semaphore(%run_scoped3A : memref<!tpu.dma_semaphore, #tpu.memory_space<semaphore_mem>>)
      %dma_wait3A = arith.constant 0 : i32
      %dma_wait3A_62 = arith.constant 0 : i32
      %dma_wait3A_63 = tpu.memref_slice %arg2[%add3A, %dma_wait3A, %dma_wait3A_62] : memref<32x80x128xi32, #tpu.memory_space<hbm>> -> memref<1x80x128xi32, #tpu.memory_space<hbm>>
      %dma_wait3A_64 = tpu.memref_squeeze %dma_wait3A_63 : memref<1x80x128xi32, #tpu.memory_space<hbm>> -> memref<80x128xi32, #tpu.memory_space<hbm>>
      %dma_wait3A_65 = arith.constant 0 : i32
      %dma_wait3A_66 = arith.constant 0 : i32
      %dma_wait3A_67 = tpu.memref_slice %arg2[%add3A, %dma_wait3A_65, %dma_wait3A_66] : memref<32x80x128xi32, #tpu.memory_space<hbm>> -> memref<1x80x128xi32, #tpu.memory_space<hbm>>
      %dma_wait3A_68 = tpu.memref_squeeze %dma_wait3A_67 : memref<1x80x128xi32, #tpu.memory_space<hbm>> -> memref<80x128xi32, #tpu.memory_space<hbm>>
      tpu.wait_dma2 semaphore(%run_scoped3A : memref<!tpu.dma_semaphore, #tpu.memory_space<semaphore_mem>>) src(%dma_wait3A_68 : memref<80x128xi32, #tpu.memory_space<hbm>>) dst(%arg8 : memref<80x128xi32, #tpu.memory_space<vmem>>)
      tpu.yield
    }) : () -> ()
    "tpu.region"() ({
      %run_scoped3A = tpu.sem_alloc : memref<!tpu.dma_semaphore, #tpu.memory_space<semaphore_mem>>
      %dma_start3A = arith.constant 0 : i32
      %dma_start3A_55 = arith.constant 0 : i32
      %dma_start3A_56 = tpu.memref_slice %arg3[%add3A, %dma_start3A, %dma_start3A_55] : memref<32x80x128xi32, #tpu.memory_space<hbm>> -> memref<1x80x128xi32, #tpu.memory_space<hbm>>
      %dma_start3A_57 = tpu.memref_squeeze %dma_start3A_56 : memref<1x80x128xi32, #tpu.memory_space<hbm>> -> memref<80x128xi32, #tpu.memory_space<hbm>>
      %dma_start3A_58 = arith.constant 0 : i32
      %dma_start3A_59 = arith.constant 0 : i32
      %dma_start3A_60 = tpu.memref_slice %arg3[%add3A, %dma_start3A_58, %dma_start3A_59] : memref<32x80x128xi32, #tpu.memory_space<hbm>> -> memref<1x80x128xi32, #tpu.memory_space<hbm>>
      %dma_start3A_61 = tpu.memref_squeeze %dma_start3A_60 : memref<1x80x128xi32, #tpu.memory_space<hbm>> -> memref<80x128xi32, #tpu.memory_space<hbm>>
      tpu.enqueue_dma source(%dma_start3A_61 : memref<80x128xi32, #tpu.memory_space<hbm>>) target(%arg9 : memref<80x128xi32, #tpu.memory_space<vmem>>) target_semaphore(%run_scoped3A : memref<!tpu.dma_semaphore, #tpu.memory_space<semaphore_mem>>)
      %dma_wait3A = arith.constant 0 : i32
      %dma_wait3A_62 = arith.constant 0 : i32
      %dma_wait3A_63 = tpu.memref_slice %arg3[%add3A, %dma_wait3A, %dma_wait3A_62] : memref<32x80x128xi32, #tpu.memory_space<hbm>> -> memref<1x80x128xi32, #tpu.memory_space<hbm>>
      %dma_wait3A_64 = tpu.memref_squeeze %dma_wait3A_63 : memref<1x80x128xi32, #tpu.memory_space<hbm>> -> memref<80x128xi32, #tpu.memory_space<hbm>>
      %dma_wait3A_65 = arith.constant 0 : i32
      %dma_wait3A_66 = arith.constant 0 : i32
      %dma_wait3A_67 = tpu.memref_slice %arg3[%add3A, %dma_wait3A_65, %dma_wait3A_66] : memref<32x80x128xi32, #tpu.memory_space<hbm>> -> memref<1x80x128xi32, #tpu.memory_space<hbm>>
      %dma_wait3A_68 = tpu.memref_squeeze %dma_wait3A_67 : memref<1x80x128xi32, #tpu.memory_space<hbm>> -> memref<80x128xi32, #tpu.memory_space<hbm>>
      tpu.wait_dma2 semaphore(%run_scoped3A : memref<!tpu.dma_semaphore, #tpu.memory_space<semaphore_mem>>) src(%dma_wait3A_68 : memref<80x128xi32, #tpu.memory_space<hbm>>) dst(%arg9 : memref<80x128xi32, #tpu.memory_space<vmem>>)
      tpu.yield
    }) : () -> ()
    "tpu.region"() ({
      %run_scoped3A = tpu.sem_alloc : memref<!tpu.dma_semaphore, #tpu.memory_space<semaphore_mem>>
      %dma_start3A = arith.constant 0 : i32
      %dma_start3A_55 = arith.constant 0 : i32
      %dma_start3A_56 = tpu.memref_slice %arg4[%add3A, %dma_start3A, %dma_start3A_55] : memref<32x80x128xf32, #tpu.memory_space<hbm>> -> memref<1x80x128xf32, #tpu.memory_space<hbm>>
      %dma_start3A_57 = tpu.memref_squeeze %dma_start3A_56 : memref<1x80x128xf32, #tpu.memory_space<hbm>> -> memref<80x128xf32, #tpu.memory_space<hbm>>
      %dma_start3A_58 = arith.constant 0 : i32
      %dma_start3A_59 = arith.constant 0 : i32
      %dma_start3A_60 = tpu.memref_slice %arg4[%add3A, %dma_start3A_58, %dma_start3A_59] : memref<32x80x128xf32, #tpu.memory_space<hbm>> -> memref<1x80x128xf32, #tpu.memory_space<hbm>>
      %dma_start3A_61 = tpu.memref_squeeze %dma_start3A_60 : memref<1x80x128xf32, #tpu.memory_space<hbm>> -> memref<80x128xf32, #tpu.memory_space<hbm>>
      tpu.enqueue_dma source(%dma_start3A_61 : memref<80x128xf32, #tpu.memory_space<hbm>>) target(%arg10 : memref<80x128xf32, #tpu.memory_space<vmem>>) target_semaphore(%run_scoped3A : memref<!tpu.dma_semaphore, #tpu.memory_space<semaphore_mem>>)
      %dma_wait3A = arith.constant 0 : i32
      %dma_wait3A_62 = arith.constant 0 : i32
      %dma_wait3A_63 = tpu.memref_slice %arg4[%add3A, %dma_wait3A, %dma_wait3A_62] : memref<32x80x128xf32, #tpu.memory_space<hbm>> -> memref<1x80x128xf32, #tpu.memory_space<hbm>>
      %dma_wait3A_64 = tpu.memref_squeeze %dma_wait3A_63 : memref<1x80x128xf32, #tpu.memory_space<hbm>> -> memref<80x128xf32, #tpu.memory_space<hbm>>
      %dma_wait3A_65 = arith.constant 0 : i32
      %dma_wait3A_66 = arith.constant 0 : i32
      %dma_wait3A_67 = tpu.memref_slice %arg4[%add3A, %dma_wait3A_65, %dma_wait3A_66] : memref<32x80x128xf32, #tpu.memory_space<hbm>> -> memref<1x80x128xf32, #tpu.memory_space<hbm>>
      %dma_wait3A_68 = tpu.memref_squeeze %dma_wait3A_67 : memref<1x80x128xf32, #tpu.memory_space<hbm>> -> memref<80x128xf32, #tpu.memory_space<hbm>>
      tpu.wait_dma2 semaphore(%run_scoped3A : memref<!tpu.dma_semaphore, #tpu.memory_space<semaphore_mem>>) src(%dma_wait3A_68 : memref<80x128xf32, #tpu.memory_space<hbm>>) dst(%arg10 : memref<80x128xf32, #tpu.memory_space<vmem>>)
      tpu.yield
    }) : () -> ()
    %broadcast_in_dim3A = arith.constant 1.000000e+00 : f32
    %broadcast_in_dim3A_3 = vector.broadcast %broadcast_in_dim3A : f32 to vector<16xf32>
    %swap3A = arith.constant 0 : index
    %swap3A_4 = tpu.vector_load %arg11[%swap3A] {strides = array<i32>} : memref<128xf32, #tpu.memory_space<vmem>>, vector<16xf32>,
    %swap3A_5 = vector.shape_cast %swap3A_4 : vector<16xf32> to vector<16xf32>
    %swap3A_6 = vector.shape_cast %broadcast_in_dim3A_3 : vector<16xf32> to vector<16xf32>
    tpu.vector_store %arg11[%swap3A], %swap3A_6 {strides = array<i32>} : memref<128xf32, #tpu.memory_space<vmem>>, vector<16xf32>,
    %broadcast_in_dim3A_7 = arith.constant 1.000000e+00 : f32
    %broadcast_in_dim3A_8 = vector.broadcast %broadcast_in_dim3A_7 : f32 to vector<16xf32>
    %swap3A_9 = arith.constant 16 : index
    %swap3A_10 = tpu.vector_load %arg11[%swap3A_9] {strides = array<i32>} : memref<128xf32, #tpu.memory_space<vmem>>, vector<16xf32>,
    %swap3A_11 = vector.shape_cast %swap3A_10 : vector<16xf32> to vector<16xf32>
    %swap3A_12 = vector.shape_cast %broadcast_in_dim3A_8 : vector<16xf32> to vector<16xf32>
    tpu.vector_store %arg11[%swap3A_9], %swap3A_12 {strides = array<i32>} : memref<128xf32, #tpu.memory_space<vmem>>, vector<16xf32>,
    %broadcast_in_dim3A_13 = arith.constant 1.000000e+00 : f32
    %broadcast_in_dim3A_14 = vector.broadcast %broadcast_in_dim3A_13 : f32 to vector<16xf32>
    %swap3A_15 = arith.constant 32 : index
    %swap3A_16 = tpu.vector_load %arg11[%swap3A_15] {strides = array<i32>} : memref<128xf32, #tpu.memory_space<vmem>>, vector<16xf32>,
    %swap3A_17 = vector.shape_cast %swap3A_16 : vector<16xf32> to vector<16xf32>
    %swap3A_18 = vector.shape_cast %broadcast_in_dim3A_14 : vector<16xf32> to vector<16xf32>
    tpu.vector_store %arg11[%swap3A_15], %swap3A_18 {strides = array<i32>} : memref<128xf32, #tpu.memory_space<vmem>>, vector<16xf32>,
    %broadcast_in_dim3A_19 = arith.constant 1.000000e+00 : f32
    %broadcast_in_dim3A_20 = vector.broadcast %broadcast_in_dim3A_19 : f32 to vector<16xf32>
    %swap3A_21 = arith.constant 48 : index
    %swap3A_22 = tpu.vector_load %arg11[%swap3A_21] {strides = array<i32>} : memref<128xf32, #tpu.memory_space<vmem>>, vector<16xf32>,
    %swap3A_23 = vector.shape_cast %swap3A_22 : vector<16xf32> to vector<16xf32>
    %swap3A_24 = vector.shape_cast %broadcast_in_dim3A_20 : vector<16xf32> to vector<16xf32>
    tpu.vector_store %arg11[%swap3A_21], %swap3A_24 {strides = array<i32>} : memref<128xf32, #tpu.memory_space<vmem>>, vector<16xf32>,
    %broadcast_in_dim3A_25 = arith.constant 1.000000e+00 : f32
    %broadcast_in_dim3A_26 = vector.broadcast %broadcast_in_dim3A_25 : f32 to vector<16xf32>
    %swap3A_27 = arith.constant 64 : index
    %swap3A_28 = tpu.vector_load %arg11[%swap3A_27] {strides = array<i32>} : memref<128xf32, #tpu.memory_space<vmem>>, vector<16xf32>,
    %swap3A_29 = vector.shape_cast %swap3A_28 : vector<16xf32> to vector<16xf32>
    %swap3A_30 = vector.shape_cast %broadcast_in_dim3A_26 : vector<16xf32> to vector<16xf32>
    tpu.vector_store %arg11[%swap3A_27], %swap3A_30 {strides = array<i32>} : memref<128xf32, #tpu.memory_space<vmem>>, vector<16xf32>,
    %broadcast_in_dim3A_31 = arith.constant 1.000000e+00 : f32
    %broadcast_in_dim3A_32 = vector.broadcast %broadcast_in_dim3A_31 : f32 to vector<16xf32>
    %swap3A_33 = arith.constant 80 : index
    %swap3A_34 = tpu.vector_load %arg11[%swap3A_33] {strides = array<i32>} : memref<128xf32, #tpu.memory_space<vmem>>, vector<16xf32>,
    %swap3A_35 = vector.shape_cast %swap3A_34 : vector<16xf32> to vector<16xf32>
    %swap3A_36 = vector.shape_cast %broadcast_in_dim3A_32 : vector<16xf32> to vector<16xf32>
    tpu.vector_store %arg11[%swap3A_33], %swap3A_36 {strides = array<i32>} : memref<128xf32, #tpu.memory_space<vmem>>, vector<16xf32>,
    %broadcast_in_dim3A_37 = arith.constant 1.000000e+00 : f32
    %broadcast_in_dim3A_38 = vector.broadcast %broadcast_in_dim3A_37 : f32 to vector<16xf32>
    %swap3A_39 = arith.constant 96 : index
    %swap3A_40 = tpu.vector_load %arg11[%swap3A_39] {strides = array<i32>} : memref<128xf32, #tpu.memory_space<vmem>>, vector<16xf32>,
    %swap3A_41 = vector.shape_cast %swap3A_40 : vector<16xf32> to vector<16xf32>
    %swap3A_42 = vector.shape_cast %broadcast_in_dim3A_38 : vector<16xf32> to vector<16xf32>
    tpu.vector_store %arg11[%swap3A_39], %swap3A_42 {strides = array<i32>} : memref<128xf32, #tpu.memory_space<vmem>>, vector<16xf32>,
    %broadcast_in_dim3A_43 = arith.constant 1.000000e+00 : f32
    %broadcast_in_dim3A_44 = vector.broadcast %broadcast_in_dim3A_43 : f32 to vector<16xf32>
    %swap3A_45 = arith.constant 112 : index
    %swap3A_46 = tpu.vector_load %arg11[%swap3A_45] {strides = array<i32>} : memref<128xf32, #tpu.memory_space<vmem>>, vector<16xf32>,
    %swap3A_47 = vector.shape_cast %swap3A_46 : vector<16xf32> to vector<16xf32>
    %swap3A_48 = vector.shape_cast %broadcast_in_dim3A_44 : vector<16xf32> to vector<16xf32>
    tpu.vector_store %arg11[%swap3A_45], %swap3A_48 {strides = array<i32>} : memref<128xf32, #tpu.memory_space<vmem>>, vector<16xf32>,
    %barrier3A = arith.constant 0 : index
    tpu.barrier barrier_id(%barrier3A)
    %scan3A = arith.constant 0 : i32
    %scan3A_49 = arith.constant 0 : i32
    %scan3A_50 = arith.constant 80 : i32
    %scan3A_51 = arith.addi %scan3A_49, %scan3A_50 : i32
    %scan3A_52 = arith.constant 1 : i32
    scf.for %scan3A_55 = %scan3A_49 to %scan3A_51 step %scan3A_52  : i32 {
      "tpu.region"() ({
        %run_scoped3A = tpu.sem_alloc : memref<!tpu.dma_semaphore, #tpu.memory_space<semaphore_mem>>
        %dma_start3A = arith.constant 0 : i32
        %dma_start3A_56 = tpu.memref_slice %arg9[%scan3A_55, %dma_start3A] : memref<80x128xi32, #tpu.memory_space<vmem>> -> memref<1x128xi32, #tpu.memory_space<vmem>>
        %dma_start3A_57 = tpu.memref_squeeze %dma_start3A_56 : memref<1x128xi32, #tpu.memory_space<vmem>> -> memref<128xi32, #tpu.memory_space<vmem>>
        %dma_start3A_58 = arith.constant 0 : i32
        %dma_start3A_59 = tpu.memref_slice %arg12[%dma_start3A_58] : memref<10240xf32, #tpu.memory_space<vmem_shared>> -> memref<10240xf32, #tpu.memory_space<vmem_shared>>
        tpu.enqueue_indirect_dma source(%arg11 : memref<128xf32, #tpu.memory_space<vmem>>) target(%dma_start3A_59 : memref<10240xf32, #tpu.memory_space<vmem_shared>>) offsets(%dma_start3A_57 : memref<128xi32, #tpu.memory_space<vmem>>) semaphore(%run_scoped3A : memref<!tpu.dma_semaphore, #tpu.memory_space<semaphore_mem>>) {add = true}
        %dma_wait3A = arith.constant 0 : i32
        %dma_wait3A_60 = tpu.memref_slice %arg9[%scan3A_55, %dma_wait3A] : memref<80x128xi32, #tpu.memory_space<vmem>> -> memref<1x128xi32, #tpu.memory_space<vmem>>
        %dma_wait3A_61 = tpu.memref_squeeze %dma_wait3A_60 : memref<1x128xi32, #tpu.memory_space<vmem>> -> memref<128xi32, #tpu.memory_space<vmem>>
        %dma_wait3A_62 = arith.constant 0 : i32
        %dma_wait3A_63 = tpu.memref_slice %arg12[%dma_wait3A_62] : memref<10240xf32, #tpu.memory_space<vmem_shared>> -> memref<10240xf32, #tpu.memory_space<vmem_shared>>
        tpu.wait_indirect_dma semaphore(%run_scoped3A : memref<!tpu.dma_semaphore, #tpu.memory_space<semaphore_mem>>) src(%arg11 : memref<128xf32, #tpu.memory_space<vmem>>) dst(%dma_wait3A_63 : memref<10240xf32, #tpu.memory_space<vmem_shared>>)
        tpu.yield
      }) : () -> ()
      "tpu.region"() ({
        %run_scoped3A = tpu.sem_alloc : memref<!tpu.dma_semaphore, #tpu.memory_space<semaphore_mem>>
        %dma_start3A = arith.constant 0 : i32
        %dma_start3A_56 = tpu.memref_slice %arg10[%scan3A_55, %dma_start3A] : memref<80x128xf32, #tpu.memory_space<vmem>> -> memref<1x128xf32, #tpu.memory_space<vmem>>
        %dma_start3A_57 = tpu.memref_squeeze %dma_start3A_56 : memref<1x128xf32, #tpu.memory_space<vmem>> -> memref<128xf32, #tpu.memory_space<vmem>>
        %dma_start3A_58 = arith.constant 0 : i32
        %dma_start3A_59 = tpu.memref_slice %arg8[%scan3A_55, %dma_start3A_58] : memref<80x128xi32, #tpu.memory_space<vmem>> -> memref<1x128xi32, #tpu.memory_space<vmem>>
        %dma_start3A_60 = tpu.memref_squeeze %dma_start3A_59 : memref<1x128xi32, #tpu.memory_space<vmem>> -> memref<128xi32, #tpu.memory_space<vmem>>
        %dma_start3A_61 = arith.constant 0 : i32
        %dma_start3A_62 = tpu.memref_slice %arg13[%dma_start3A_61] : memref<10240xf32, #tpu.memory_space<vmem_shared>> -> memref<10240xf32, #tpu.memory_space<vmem_shared>>
        tpu.enqueue_indirect_dma source(%dma_start3A_57 : memref<128xf32, #tpu.memory_space<vmem>>) target(%dma_start3A_62 : memref<10240xf32, #tpu.memory_space<vmem_shared>>) offsets(%dma_start3A_60 : memref<128xi32, #tpu.memory_space<vmem>>) semaphore(%run_scoped3A : memref<!tpu.dma_semaphore, #tpu.memory_space<semaphore_mem>>) {add = true}
        %dma_wait3A = arith.constant 0 : i32
        %dma_wait3A_63 = tpu.memref_slice %arg10[%scan3A_55, %dma_wait3A] : memref<80x128xf32, #tpu.memory_space<vmem>> -> memref<1x128xf32, #tpu.memory_space<vmem>>
        %dma_wait3A_64 = tpu.memref_squeeze %dma_wait3A_63 : memref<1x128xf32, #tpu.memory_space<vmem>> -> memref<128xf32, #tpu.memory_space<vmem>>
        %dma_wait3A_65 = arith.constant 0 : i32
        %dma_wait3A_66 = tpu.memref_slice %arg8[%scan3A_55, %dma_wait3A_65] : memref<80x128xi32, #tpu.memory_space<vmem>> -> memref<1x128xi32, #tpu.memory_space<vmem>>
        %dma_wait3A_67 = tpu.memref_squeeze %dma_wait3A_66 : memref<1x128xi32, #tpu.memory_space<vmem>> -> memref<128xi32, #tpu.memory_space<vmem>>
        %dma_wait3A_68 = arith.constant 0 : i32
        %dma_wait3A_69 = tpu.memref_slice %arg13[%dma_wait3A_68] : memref<10240xf32, #tpu.memory_space<vmem_shared>> -> memref<10240xf32, #tpu.memory_space<vmem_shared>>
        tpu.wait_indirect_dma semaphore(%run_scoped3A : memref<!tpu.dma_semaphore, #tpu.memory_space<semaphore_mem>>) src(%dma_wait3A_64 : memref<128xf32, #tpu.memory_space<vmem>>) dst(%dma_wait3A_69 : memref<10240xf32, #tpu.memory_space<vmem_shared>>)
        tpu.yield
      }) : () -> ()
    }
    %scan3A_53 = arith.constant 80 : i32
    %barrier3A_54 = arith.constant 0 : index
    tpu.barrier barrier_id(%barrier3A_54)
    "tpu.region"() ({
      %run_scoped3A = tpu.sem_alloc : memref<!tpu.dma_semaphore, #tpu.memory_space<semaphore_mem>>
      %dma_start3A = tpu.memref_slice %arg6[%arg0, %mul3A_2] : memref<2x10240xf32, #tpu.memory_space<hbm>> -> memref<1x640xf32, #tpu.memory_space<hbm>>
      %dma_start3A_55 = tpu.memref_squeeze %dma_start3A : memref<1x640xf32, #tpu.memory_space<hbm>> -> memref<640xf32, #tpu.memory_space<hbm>>
      %dma_start3A_56 = tpu.memref_slice %arg12[%mul3A_2] : memref<10240xf32, #tpu.memory_space<vmem_shared>> -> memref<640xf32, #tpu.memory_space<vmem_shared>>
      tpu.enqueue_dma source(%dma_start3A_56 : memref<640xf32, #tpu.memory_space<vmem_shared>>) target(%dma_start3A_55 : memref<640xf32, #tpu.memory_space<hbm>>) target_semaphore(%run_scoped3A : memref<!tpu.dma_semaphore, #tpu.memory_space<semaphore_mem>>)
      %dma_wait3A = tpu.memref_slice %arg6[%arg0, %mul3A_2] : memref<2x10240xf32, #tpu.memory_space<hbm>> -> memref<1x640xf32, #tpu.memory_space<hbm>>
      %dma_wait3A_57 = tpu.memref_squeeze %dma_wait3A : memref<1x640xf32, #tpu.memory_space<hbm>> -> memref<640xf32, #tpu.memory_space<hbm>>
      %dma_wait3A_58 = tpu.memref_slice %arg12[%mul3A_2] : memref<10240xf32, #tpu.memory_space<vmem_shared>> -> memref<640xf32, #tpu.memory_space<vmem_shared>>
      tpu.wait_dma2 semaphore(%run_scoped3A : memref<!tpu.dma_semaphore, #tpu.memory_space<semaphore_mem>>) src(%dma_wait3A_58 : memref<640xf32, #tpu.memory_space<vmem_shared>>) dst(%dma_wait3A_57 : memref<640xf32, #tpu.memory_space<hbm>>)
      tpu.yield
    }) : () -> ()
    "tpu.region"() ({
      %run_scoped3A = tpu.sem_alloc : memref<!tpu.dma_semaphore, #tpu.memory_space<semaphore_mem>>
      %dma_start3A = tpu.memref_slice %arg7[%arg0, %mul3A_2] : memref<2x10240xf32, #tpu.memory_space<hbm>> -> memref<1x640xf32, #tpu.memory_space<hbm>>
      %dma_start3A_55 = tpu.memref_squeeze %dma_start3A : memref<1x640xf32, #tpu.memory_space<hbm>> -> memref<640xf32, #tpu.memory_space<hbm>>
      %dma_start3A_56 = tpu.memref_slice %arg13[%mul3A_2] : memref<10240xf32, #tpu.memory_space<vmem_shared>> -> memref<640xf32, #tpu.memory_space<vmem_shared>>
      tpu.enqueue_dma source(%dma_start3A_56 : memref<640xf32, #tpu.memory_space<vmem_shared>>) target(%dma_start3A_55 : memref<640xf32, #tpu.memory_space<hbm>>) target_semaphore(%run_scoped3A : memref<!tpu.dma_semaphore, #tpu.memory_space<semaphore_mem>>)
      %dma_wait3A = tpu.memref_slice %arg7[%arg0, %mul3A_2] : memref<2x10240xf32, #tpu.memory_space<hbm>> -> memref<1x640xf32, #tpu.memory_space<hbm>>
      %dma_wait3A_57 = tpu.memref_squeeze %dma_wait3A : memref<1x640xf32, #tpu.memory_space<hbm>> -> memref<640xf32, #tpu.memory_space<hbm>>
      %dma_wait3A_58 = tpu.memref_slice %arg13[%mul3A_2] : memref<10240xf32, #tpu.memory_space<vmem_shared>> -> memref<640xf32, #tpu.memory_space<vmem_shared>>
      tpu.wait_dma2 semaphore(%run_scoped3A : memref<!tpu.dma_semaphore, #tpu.memory_space<semaphore_mem>>) src(%dma_wait3A_58 : memref<640xf32, #tpu.memory_space<vmem_shared>>) dst(%dma_wait3A_57 : memref<640xf32, #tpu.memory_space<hbm>>)
      tpu.yield
    }) : () -> ()
    return
  }
}

#map = affine_map<(d0, d1) -> (0, 0, 0)>
#map1 = affine_map<(d0, d1) -> (0, 0)>
module attributes {stable_mosaic.version = 14 : i64} {
  func.func @conv(%arg0: i32, %arg1: i32, %arg2: memref<32x80x128xi32, #tpu.memory_space<hbm>>, %arg3: memref<32x80x128xi32, #tpu.memory_space<hbm>>, %arg4: memref<10240x32xf32, #tpu.memory_space<hbm>>, %arg5: memref<10240x32xf32, #tpu.memory_space<hbm>>, %arg6: memref<2x10240x32xf32, #tpu.memory_space<hbm>>, %arg7: memref<80x128xi32, #tpu.memory_space<vmem>>, %arg8: memref<80x128xi32, #tpu.memory_space<vmem>>, %arg9: memref<128x32xf32, #tpu.memory_space<vmem>>, %arg10: memref<!tpu.dma_semaphore, #tpu.memory_space<semaphore_mem>>, %arg11: memref<10240x32xf32, #tpu.memory_space<vmem_shared>>) attributes {dimension_semantics = [#tpu.dimension_semantics<core_parallel>, #tpu.dimension_semantics<subcore_parallel>], iteration_bounds = array<i64: 2, 16>, scalar_prefetch = 0 : i64, scratch_operands = 5 : i64, tpu.core_type = #tpu.core_type<sc_vector_subcore>, window_params = [{transform_indices = #map}, {transform_indices = #map}, {transform_indices = #map1}, {transform_indices = #map1}, {transform_indices = #map}]} {
    %mul3A = arith.constant 16 : i32
    %mul3A_0 = arith.muli %arg0, %mul3A : i32
    %add3A = arith.addi %mul3A_0, %arg1 : i32
    %mul3A_1 = arith.constant 640 : i32
    %mul3A_2 = arith.muli %arg1, %mul3A_1 : i32
    "tpu.region"() ({
      %run_scoped3A = tpu.sem_alloc : memref<!tpu.dma_semaphore, #tpu.memory_space<semaphore_mem>>
      %dma_start3A = arith.constant 0 : i32
      %dma_start3A_9 = tpu.memref_slice %arg11[%mul3A_2, %dma_start3A] : memref<10240x32xf32, #tpu.memory_space<vmem_shared>> -> memref<640x32xf32, #tpu.memory_space<vmem_shared>>
      %dma_start3A_10 = arith.constant 0 : i32
      %dma_start3A_11 = tpu.memref_slice %arg5[%mul3A_2, %dma_start3A_10] : memref<10240x32xf32, #tpu.memory_space<hbm>> -> memref<640x32xf32, #tpu.memory_space<hbm>>
      tpu.enqueue_dma source(%dma_start3A_11 : memref<640x32xf32, #tpu.memory_space<hbm>>) target(%dma_start3A_9 : memref<640x32xf32, #tpu.memory_space<vmem_shared>>) target_semaphore(%run_scoped3A : memref<!tpu.dma_semaphore, #tpu.memory_space<semaphore_mem>>)
      %dma_wait3A = arith.constant 0 : i32
      %dma_wait3A_12 = tpu.memref_slice %arg11[%mul3A_2, %dma_wait3A] : memref<10240x32xf32, #tpu.memory_space<vmem_shared>> -> memref<640x32xf32, #tpu.memory_space<vmem_shared>>
      %dma_wait3A_13 = arith.constant 0 : i32
      %dma_wait3A_14 = tpu.memref_slice %arg5[%mul3A_2, %dma_wait3A_13] : memref<10240x32xf32, #tpu.memory_space<hbm>> -> memref<640x32xf32, #tpu.memory_space<hbm>>
      tpu.wait_dma2 semaphore(%run_scoped3A : memref<!tpu.dma_semaphore, #tpu.memory_space<semaphore_mem>>) src(%dma_wait3A_14 : memref<640x32xf32, #tpu.memory_space<hbm>>) dst(%dma_wait3A_12 : memref<640x32xf32, #tpu.memory_space<vmem_shared>>)
      tpu.yield
    }) : () -> ()
    "tpu.region"() ({
      %run_scoped3A = tpu.sem_alloc : memref<!tpu.dma_semaphore, #tpu.memory_space<semaphore_mem>>
      %dma_start3A = arith.constant 0 : i32
      %dma_start3A_9 = arith.constant 0 : i32
      %dma_start3A_10 = tpu.memref_slice %arg2[%add3A, %dma_start3A, %dma_start3A_9] : memref<32x80x128xi32, #tpu.memory_space<hbm>> -> memref<1x80x128xi32, #tpu.memory_space<hbm>>
      %dma_start3A_11 = tpu.memref_squeeze %dma_start3A_10 : memref<1x80x128xi32, #tpu.memory_space<hbm>> -> memref<80x128xi32, #tpu.memory_space<hbm>>
      %dma_start3A_12 = arith.constant 0 : i32
      %dma_start3A_13 = arith.constant 0 : i32
      %dma_start3A_14 = tpu.memref_slice %arg2[%add3A, %dma_start3A_12, %dma_start3A_13] : memref<32x80x128xi32, #tpu.memory_space<hbm>> -> memref<1x80x128xi32, #tpu.memory_space<hbm>>
      %dma_start3A_15 = tpu.memref_squeeze %dma_start3A_14 : memref<1x80x128xi32, #tpu.memory_space<hbm>> -> memref<80x128xi32, #tpu.memory_space<hbm>>
      tpu.enqueue_dma source(%dma_start3A_15 : memref<80x128xi32, #tpu.memory_space<hbm>>) target(%arg7 : memref<80x128xi32, #tpu.memory_space<vmem>>) target_semaphore(%run_scoped3A : memref<!tpu.dma_semaphore, #tpu.memory_space<semaphore_mem>>)
      %dma_wait3A = arith.constant 0 : i32
      %dma_wait3A_16 = arith.constant 0 : i32
      %dma_wait3A_17 = tpu.memref_slice %arg2[%add3A, %dma_wait3A, %dma_wait3A_16] : memref<32x80x128xi32, #tpu.memory_space<hbm>> -> memref<1x80x128xi32, #tpu.memory_space<hbm>>
      %dma_wait3A_18 = tpu.memref_squeeze %dma_wait3A_17 : memref<1x80x128xi32, #tpu.memory_space<hbm>> -> memref<80x128xi32, #tpu.memory_space<hbm>>
      %dma_wait3A_19 = arith.constant 0 : i32
      %dma_wait3A_20 = arith.constant 0 : i32
      %dma_wait3A_21 = tpu.memref_slice %arg2[%add3A, %dma_wait3A_19, %dma_wait3A_20] : memref<32x80x128xi32, #tpu.memory_space<hbm>> -> memref<1x80x128xi32, #tpu.memory_space<hbm>>
      %dma_wait3A_22 = tpu.memref_squeeze %dma_wait3A_21 : memref<1x80x128xi32, #tpu.memory_space<hbm>> -> memref<80x128xi32, #tpu.memory_space<hbm>>
      tpu.wait_dma2 semaphore(%run_scoped3A : memref<!tpu.dma_semaphore, #tpu.memory_space<semaphore_mem>>) src(%dma_wait3A_22 : memref<80x128xi32, #tpu.memory_space<hbm>>) dst(%arg7 : memref<80x128xi32, #tpu.memory_space<vmem>>)
      tpu.yield
    }) : () -> ()
    "tpu.region"() ({
      %run_scoped3A = tpu.sem_alloc : memref<!tpu.dma_semaphore, #tpu.memory_space<semaphore_mem>>
      %dma_start3A = arith.constant 0 : i32
      %dma_start3A_9 = arith.constant 0 : i32
      %dma_start3A_10 = tpu.memref_slice %arg3[%add3A, %dma_start3A, %dma_start3A_9] : memref<32x80x128xi32, #tpu.memory_space<hbm>> -> memref<1x80x128xi32, #tpu.memory_space<hbm>>
      %dma_start3A_11 = tpu.memref_squeeze %dma_start3A_10 : memref<1x80x128xi32, #tpu.memory_space<hbm>> -> memref<80x128xi32, #tpu.memory_space<hbm>>
      %dma_start3A_12 = arith.constant 0 : i32
      %dma_start3A_13 = arith.constant 0 : i32
      %dma_start3A_14 = tpu.memref_slice %arg3[%add3A, %dma_start3A_12, %dma_start3A_13] : memref<32x80x128xi32, #tpu.memory_space<hbm>> -> memref<1x80x128xi32, #tpu.memory_space<hbm>>
      %dma_start3A_15 = tpu.memref_squeeze %dma_start3A_14 : memref<1x80x128xi32, #tpu.memory_space<hbm>> -> memref<80x128xi32, #tpu.memory_space<hbm>>
      tpu.enqueue_dma source(%dma_start3A_15 : memref<80x128xi32, #tpu.memory_space<hbm>>) target(%arg8 : memref<80x128xi32, #tpu.memory_space<vmem>>) target_semaphore(%run_scoped3A : memref<!tpu.dma_semaphore, #tpu.memory_space<semaphore_mem>>)
      %dma_wait3A = arith.constant 0 : i32
      %dma_wait3A_16 = arith.constant 0 : i32
      %dma_wait3A_17 = tpu.memref_slice %arg3[%add3A, %dma_wait3A, %dma_wait3A_16] : memref<32x80x128xi32, #tpu.memory_space<hbm>> -> memref<1x80x128xi32, #tpu.memory_space<hbm>>
      %dma_wait3A_18 = tpu.memref_squeeze %dma_wait3A_17 : memref<1x80x128xi32, #tpu.memory_space<hbm>> -> memref<80x128xi32, #tpu.memory_space<hbm>>
      %dma_wait3A_19 = arith.constant 0 : i32
      %dma_wait3A_20 = arith.constant 0 : i32
      %dma_wait3A_21 = tpu.memref_slice %arg3[%add3A, %dma_wait3A_19, %dma_wait3A_20] : memref<32x80x128xi32, #tpu.memory_space<hbm>> -> memref<1x80x128xi32, #tpu.memory_space<hbm>>
      %dma_wait3A_22 = tpu.memref_squeeze %dma_wait3A_21 : memref<1x80x128xi32, #tpu.memory_space<hbm>> -> memref<80x128xi32, #tpu.memory_space<hbm>>
      tpu.wait_dma2 semaphore(%run_scoped3A : memref<!tpu.dma_semaphore, #tpu.memory_space<semaphore_mem>>) src(%dma_wait3A_22 : memref<80x128xi32, #tpu.memory_space<hbm>>) dst(%arg8 : memref<80x128xi32, #tpu.memory_space<vmem>>)
      tpu.yield
    }) : () -> ()
    %barrier3A = arith.constant 0 : index
    tpu.barrier barrier_id(%barrier3A)
    %scan3A = arith.constant 0 : i32
    %scan3A_3 = arith.constant 0 : i32
    %scan3A_4 = arith.constant 80 : i32
    %scan3A_5 = arith.addi %scan3A_3, %scan3A_4 : i32
    %scan3A_6 = arith.constant 1 : i32
    scf.for %scan3A_9 = %scan3A_3 to %scan3A_5 step %scan3A_6  : i32 {
      %dma_start3A = arith.constant 0 : i32
      %dma_start3A_10 = tpu.memref_slice %arg7[%scan3A_9, %dma_start3A] : memref<80x128xi32, #tpu.memory_space<vmem>> -> memref<1x128xi32, #tpu.memory_space<vmem>>
      %dma_start3A_11 = tpu.memref_squeeze %dma_start3A_10 : memref<1x128xi32, #tpu.memory_space<vmem>> -> memref<128xi32, #tpu.memory_space<vmem>>
      %dma_start3A_12 = arith.constant 0 : i32
      %dma_start3A_13 = arith.constant 0 : i32
      %dma_start3A_14 = tpu.memref_slice %arg4[%dma_start3A_12, %dma_start3A_13] : memref<10240x32xf32, #tpu.memory_space<hbm>> -> memref<10240x32xf32, #tpu.memory_space<hbm>>
      tpu.enqueue_indirect_dma source(%dma_start3A_14 : memref<10240x32xf32, #tpu.memory_space<hbm>>) target(%arg9 : memref<128x32xf32, #tpu.memory_space<vmem>>) offsets(%dma_start3A_11 : memref<128xi32, #tpu.memory_space<vmem>>) semaphore(%arg10 : memref<!tpu.dma_semaphore, #tpu.memory_space<semaphore_mem>>)
      %dma_wait3A = arith.constant 0 : i32
      %dma_wait3A_15 = tpu.memref_slice %arg7[%scan3A_9, %dma_wait3A] : memref<80x128xi32, #tpu.memory_space<vmem>> -> memref<1x128xi32, #tpu.memory_space<vmem>>
      %dma_wait3A_16 = tpu.memref_squeeze %dma_wait3A_15 : memref<1x128xi32, #tpu.memory_space<vmem>> -> memref<128xi32, #tpu.memory_space<vmem>>
      %dma_wait3A_17 = arith.constant 0 : i32
      %dma_wait3A_18 = arith.constant 0 : i32
      %dma_wait3A_19 = tpu.memref_slice %arg4[%dma_wait3A_17, %dma_wait3A_18] : memref<10240x32xf32, #tpu.memory_space<hbm>> -> memref<10240x32xf32, #tpu.memory_space<hbm>>
      tpu.wait_indirect_dma semaphore(%arg10 : memref<!tpu.dma_semaphore, #tpu.memory_space<semaphore_mem>>) src(%dma_wait3A_19 : memref<10240x32xf32, #tpu.memory_space<hbm>>) dst(%arg9 : memref<128x32xf32, #tpu.memory_space<vmem>>)
      "tpu.region"() ({
        %run_scoped3A = tpu.sem_alloc : memref<!tpu.dma_semaphore, #tpu.memory_space<semaphore_mem>>
        %dma_start3A_20 = arith.constant 0 : i32
        %dma_start3A_21 = tpu.memref_slice %arg8[%scan3A_9, %dma_start3A_20] : memref<80x128xi32, #tpu.memory_space<vmem>> -> memref<1x128xi32, #tpu.memory_space<vmem>>
        %dma_start3A_22 = tpu.memref_squeeze %dma_start3A_21 : memref<1x128xi32, #tpu.memory_space<vmem>> -> memref<128xi32, #tpu.memory_space<vmem>>
        %dma_start3A_23 = arith.constant 0 : i32
        %dma_start3A_24 = arith.constant 0 : i32
        %dma_start3A_25 = tpu.memref_slice %arg11[%dma_start3A_23, %dma_start3A_24] : memref<10240x32xf32, #tpu.memory_space<vmem_shared>> -> memref<10240x32xf32, #tpu.memory_space<vmem_shared>>
        tpu.enqueue_indirect_dma source(%arg9 : memref<128x32xf32, #tpu.memory_space<vmem>>) target(%dma_start3A_25 : memref<10240x32xf32, #tpu.memory_space<vmem_shared>>) offsets(%dma_start3A_22 : memref<128xi32, #tpu.memory_space<vmem>>) semaphore(%run_scoped3A : memref<!tpu.dma_semaphore, #tpu.memory_space<semaphore_mem>>) {add = true}
        %dma_wait3A_26 = arith.constant 0 : i32
        %dma_wait3A_27 = tpu.memref_slice %arg8[%scan3A_9, %dma_wait3A_26] : memref<80x128xi32, #tpu.memory_space<vmem>> -> memref<1x128xi32, #tpu.memory_space<vmem>>
        %dma_wait3A_28 = tpu.memref_squeeze %dma_wait3A_27 : memref<1x128xi32, #tpu.memory_space<vmem>> -> memref<128xi32, #tpu.memory_space<vmem>>
        %dma_wait3A_29 = arith.constant 0 : i32
        %dma_wait3A_30 = arith.constant 0 : i32
        %dma_wait3A_31 = tpu.memref_slice %arg11[%dma_wait3A_29, %dma_wait3A_30] : memref<10240x32xf32, #tpu.memory_space<vmem_shared>> -> memref<10240x32xf32, #tpu.memory_space<vmem_shared>>
        tpu.wait_indirect_dma semaphore(%run_scoped3A : memref<!tpu.dma_semaphore, #tpu.memory_space<semaphore_mem>>) src(%arg9 : memref<128x32xf32, #tpu.memory_space<vmem>>) dst(%dma_wait3A_31 : memref<10240x32xf32, #tpu.memory_space<vmem_shared>>)
        tpu.yield
      }) : () -> ()
    }
    %scan3A_7 = arith.constant 80 : i32
    %barrier3A_8 = arith.constant 0 : index
    tpu.barrier barrier_id(%barrier3A_8)
    "tpu.region"() ({
      %run_scoped3A = tpu.sem_alloc : memref<!tpu.dma_semaphore, #tpu.memory_space<semaphore_mem>>
      %dma_start3A = arith.constant 0 : i32
      %dma_start3A_9 = tpu.memref_slice %arg6[%arg0, %mul3A_2, %dma_start3A] : memref<2x10240x32xf32, #tpu.memory_space<hbm>> -> memref<1x640x32xf32, #tpu.memory_space<hbm>>
      %dma_start3A_10 = tpu.memref_squeeze %dma_start3A_9 : memref<1x640x32xf32, #tpu.memory_space<hbm>> -> memref<640x32xf32, #tpu.memory_space<hbm>>
      %dma_start3A_11 = arith.constant 0 : i32
      %dma_start3A_12 = tpu.memref_slice %arg11[%mul3A_2, %dma_start3A_11] : memref<10240x32xf32, #tpu.memory_space<vmem_shared>> -> memref<640x32xf32, #tpu.memory_space<vmem_shared>>
      tpu.enqueue_dma source(%dma_start3A_12 : memref<640x32xf32, #tpu.memory_space<vmem_shared>>) target(%dma_start3A_10 : memref<640x32xf32, #tpu.memory_space<hbm>>) target_semaphore(%run_scoped3A : memref<!tpu.dma_semaphore, #tpu.memory_space<semaphore_mem>>)
      %dma_wait3A = arith.constant 0 : i32
      %dma_wait3A_13 = tpu.memref_slice %arg6[%arg0, %mul3A_2, %dma_wait3A] : memref<2x10240x32xf32, #tpu.memory_space<hbm>> -> memref<1x640x32xf32, #tpu.memory_space<hbm>>
      %dma_wait3A_14 = tpu.memref_squeeze %dma_wait3A_13 : memref<1x640x32xf32, #tpu.memory_space<hbm>> -> memref<640x32xf32, #tpu.memory_space<hbm>>
      %dma_wait3A_15 = arith.constant 0 : i32
      %dma_wait3A_16 = tpu.memref_slice %arg11[%mul3A_2, %dma_wait3A_15] : memref<10240x32xf32, #tpu.memory_space<vmem_shared>> -> memref<640x32xf32, #tpu.memory_space<vmem_shared>>
      tpu.wait_dma2 semaphore(%run_scoped3A : memref<!tpu.dma_semaphore, #tpu.memory_space<semaphore_mem>>) src(%dma_wait3A_16 : memref<640x32xf32, #tpu.memory_space<vmem_shared>>) dst(%dma_wait3A_14 : memref<640x32xf32, #tpu.memory_space<hbm>>)
      tpu.yield
    }) : () -> ()
    return
  }
}

#map = affine_map<(d0, d1) -> (0, 0, 0)>
#map1 = affine_map<(d0, d1) -> (0, 0)>
module attributes {stable_mosaic.version = 14 : i64} {
  func.func @conv(%arg0: i32, %arg1: i32, %arg2: memref<32x80x128xi32, #tpu.memory_space<hbm>>, %arg3: memref<32x80x128xi32, #tpu.memory_space<hbm>>, %arg4: memref<10240x32xf32, #tpu.memory_space<hbm>>, %arg5: memref<10240x32xf32, #tpu.memory_space<hbm>>, %arg6: memref<2x10240x32xf32, #tpu.memory_space<hbm>>, %arg7: memref<80x128xi32, #tpu.memory_space<vmem>>, %arg8: memref<80x128xi32, #tpu.memory_space<vmem>>, %arg9: memref<128x32xf32, #tpu.memory_space<vmem>>, %arg10: memref<!tpu.dma_semaphore, #tpu.memory_space<semaphore_mem>>, %arg11: memref<10240x32xf32, #tpu.memory_space<vmem_shared>>) attributes {dimension_semantics = [#tpu.dimension_semantics<core_parallel>, #tpu.dimension_semantics<subcore_parallel>], iteration_bounds = array<i64: 2, 16>, scalar_prefetch = 0 : i64, scratch_operands = 5 : i64, tpu.core_type = #tpu.core_type<sc_vector_subcore>, window_params = [{transform_indices = #map}, {transform_indices = #map}, {transform_indices = #map1}, {transform_indices = #map1}, {transform_indices = #map}]} {
    %mul3A = arith.constant 16 : i32
    %mul3A_0 = arith.muli %arg0, %mul3A : i32
    %add3A = arith.addi %mul3A_0, %arg1 : i32
    %mul3A_1 = arith.constant 640 : i32
    %mul3A_2 = arith.muli %arg1, %mul3A_1 : i32
    "tpu.region"() ({
      %run_scoped3A = tpu.sem_alloc : memref<!tpu.dma_semaphore, #tpu.memory_space<semaphore_mem>>
      %dma_start3A = arith.constant 0 : i32
      %dma_start3A_9 = tpu.memref_slice %arg11[%mul3A_2, %dma_start3A] : memref<10240x32xf32, #tpu.memory_space<vmem_shared>> -> memref<640x32xf32, #tpu.memory_space<vmem_shared>>
      %dma_start3A_10 = arith.constant 0 : i32
      %dma_start3A_11 = tpu.memref_slice %arg5[%mul3A_2, %dma_start3A_10] : memref<10240x32xf32, #tpu.memory_space<hbm>> -> memref<640x32xf32, #tpu.memory_space<hbm>>
      tpu.enqueue_dma source(%dma_start3A_11 : memref<640x32xf32, #tpu.memory_space<hbm>>) target(%dma_start3A_9 : memref<640x32xf32, #tpu.memory_space<vmem_shared>>) target_semaphore(%run_scoped3A : memref<!tpu.dma_semaphore, #tpu.memory_space<semaphore_mem>>)
      %dma_wait3A = arith.constant 0 : i32
      %dma_wait3A_12 = tpu.memref_slice %arg11[%mul3A_2, %dma_wait3A] : memref<10240x32xf32, #tpu.memory_space<vmem_shared>> -> memref<640x32xf32, #tpu.memory_space<vmem_shared>>
      %dma_wait3A_13 = arith.constant 0 : i32
      %dma_wait3A_14 = tpu.memref_slice %arg5[%mul3A_2, %dma_wait3A_13] : memref<10240x32xf32, #tpu.memory_space<hbm>> -> memref<640x32xf32, #tpu.memory_space<hbm>>
      tpu.wait_dma2 semaphore(%run_scoped3A : memref<!tpu.dma_semaphore, #tpu.memory_space<semaphore_mem>>) src(%dma_wait3A_14 : memref<640x32xf32, #tpu.memory_space<hbm>>) dst(%dma_wait3A_12 : memref<640x32xf32, #tpu.memory_space<vmem_shared>>)
      tpu.yield
    }) : () -> ()
    "tpu.region"() ({
      %run_scoped3A = tpu.sem_alloc : memref<!tpu.dma_semaphore, #tpu.memory_space<semaphore_mem>>
      %dma_start3A = arith.constant 0 : i32
      %dma_start3A_9 = arith.constant 0 : i32
      %dma_start3A_10 = tpu.memref_slice %arg2[%add3A, %dma_start3A, %dma_start3A_9] : memref<32x80x128xi32, #tpu.memory_space<hbm>> -> memref<1x80x128xi32, #tpu.memory_space<hbm>>
      %dma_start3A_11 = tpu.memref_squeeze %dma_start3A_10 : memref<1x80x128xi32, #tpu.memory_space<hbm>> -> memref<80x128xi32, #tpu.memory_space<hbm>>
      %dma_start3A_12 = arith.constant 0 : i32
      %dma_start3A_13 = arith.constant 0 : i32
      %dma_start3A_14 = tpu.memref_slice %arg2[%add3A, %dma_start3A_12, %dma_start3A_13] : memref<32x80x128xi32, #tpu.memory_space<hbm>> -> memref<1x80x128xi32, #tpu.memory_space<hbm>>
      %dma_start3A_15 = tpu.memref_squeeze %dma_start3A_14 : memref<1x80x128xi32, #tpu.memory_space<hbm>> -> memref<80x128xi32, #tpu.memory_space<hbm>>
      tpu.enqueue_dma source(%dma_start3A_15 : memref<80x128xi32, #tpu.memory_space<hbm>>) target(%arg7 : memref<80x128xi32, #tpu.memory_space<vmem>>) target_semaphore(%run_scoped3A : memref<!tpu.dma_semaphore, #tpu.memory_space<semaphore_mem>>)
      %dma_wait3A = arith.constant 0 : i32
      %dma_wait3A_16 = arith.constant 0 : i32
      %dma_wait3A_17 = tpu.memref_slice %arg2[%add3A, %dma_wait3A, %dma_wait3A_16] : memref<32x80x128xi32, #tpu.memory_space<hbm>> -> memref<1x80x128xi32, #tpu.memory_space<hbm>>
      %dma_wait3A_18 = tpu.memref_squeeze %dma_wait3A_17 : memref<1x80x128xi32, #tpu.memory_space<hbm>> -> memref<80x128xi32, #tpu.memory_space<hbm>>
      %dma_wait3A_19 = arith.constant 0 : i32
      %dma_wait3A_20 = arith.constant 0 : i32
      %dma_wait3A_21 = tpu.memref_slice %arg2[%add3A, %dma_wait3A_19, %dma_wait3A_20] : memref<32x80x128xi32, #tpu.memory_space<hbm>> -> memref<1x80x128xi32, #tpu.memory_space<hbm>>
      %dma_wait3A_22 = tpu.memref_squeeze %dma_wait3A_21 : memref<1x80x128xi32, #tpu.memory_space<hbm>> -> memref<80x128xi32, #tpu.memory_space<hbm>>
      tpu.wait_dma2 semaphore(%run_scoped3A : memref<!tpu.dma_semaphore, #tpu.memory_space<semaphore_mem>>) src(%dma_wait3A_22 : memref<80x128xi32, #tpu.memory_space<hbm>>) dst(%arg7 : memref<80x128xi32, #tpu.memory_space<vmem>>)
      tpu.yield
    }) : () -> ()
    "tpu.region"() ({
      %run_scoped3A = tpu.sem_alloc : memref<!tpu.dma_semaphore, #tpu.memory_space<semaphore_mem>>
      %dma_start3A = arith.constant 0 : i32
      %dma_start3A_9 = arith.constant 0 : i32
      %dma_start3A_10 = tpu.memref_slice %arg3[%add3A, %dma_start3A, %dma_start3A_9] : memref<32x80x128xi32, #tpu.memory_space<hbm>> -> memref<1x80x128xi32, #tpu.memory_space<hbm>>
      %dma_start3A_11 = tpu.memref_squeeze %dma_start3A_10 : memref<1x80x128xi32, #tpu.memory_space<hbm>> -> memref<80x128xi32, #tpu.memory_space<hbm>>
      %dma_start3A_12 = arith.constant 0 : i32
      %dma_start3A_13 = arith.constant 0 : i32
      %dma_start3A_14 = tpu.memref_slice %arg3[%add3A, %dma_start3A_12, %dma_start3A_13] : memref<32x80x128xi32, #tpu.memory_space<hbm>> -> memref<1x80x128xi32, #tpu.memory_space<hbm>>
      %dma_start3A_15 = tpu.memref_squeeze %dma_start3A_14 : memref<1x80x128xi32, #tpu.memory_space<hbm>> -> memref<80x128xi32, #tpu.memory_space<hbm>>
      tpu.enqueue_dma source(%dma_start3A_15 : memref<80x128xi32, #tpu.memory_space<hbm>>) target(%arg8 : memref<80x128xi32, #tpu.memory_space<vmem>>) target_semaphore(%run_scoped3A : memref<!tpu.dma_semaphore, #tpu.memory_space<semaphore_mem>>)
      %dma_wait3A = arith.constant 0 : i32
      %dma_wait3A_16 = arith.constant 0 : i32
      %dma_wait3A_17 = tpu.memref_slice %arg3[%add3A, %dma_wait3A, %dma_wait3A_16] : memref<32x80x128xi32, #tpu.memory_space<hbm>> -> memref<1x80x128xi32, #tpu.memory_space<hbm>>
      %dma_wait3A_18 = tpu.memref_squeeze %dma_wait3A_17 : memref<1x80x128xi32, #tpu.memory_space<hbm>> -> memref<80x128xi32, #tpu.memory_space<hbm>>
      %dma_wait3A_19 = arith.constant 0 : i32
      %dma_wait3A_20 = arith.constant 0 : i32
      %dma_wait3A_21 = tpu.memref_slice %arg3[%add3A, %dma_wait3A_19, %dma_wait3A_20] : memref<32x80x128xi32, #tpu.memory_space<hbm>> -> memref<1x80x128xi32, #tpu.memory_space<hbm>>
      %dma_wait3A_22 = tpu.memref_squeeze %dma_wait3A_21 : memref<1x80x128xi32, #tpu.memory_space<hbm>> -> memref<80x128xi32, #tpu.memory_space<hbm>>
      tpu.wait_dma2 semaphore(%run_scoped3A : memref<!tpu.dma_semaphore, #tpu.memory_space<semaphore_mem>>) src(%dma_wait3A_22 : memref<80x128xi32, #tpu.memory_space<hbm>>) dst(%arg8 : memref<80x128xi32, #tpu.memory_space<vmem>>)
      tpu.yield
    }) : () -> ()
    %barrier3A = arith.constant 0 : index
    tpu.barrier barrier_id(%barrier3A)
    %scan3A = arith.constant 0 : i32
    %scan3A_3 = arith.constant 0 : i32
    %scan3A_4 = arith.constant 80 : i32
    %scan3A_5 = arith.addi %scan3A_3, %scan3A_4 : i32
    %scan3A_6 = arith.constant 1 : i32
    scf.for %scan3A_9 = %scan3A_3 to %scan3A_5 step %scan3A_6  : i32 {
      %dma_start3A = arith.constant 0 : i32
      %dma_start3A_10 = tpu.memref_slice %arg7[%scan3A_9, %dma_start3A] : memref<80x128xi32, #tpu.memory_space<vmem>> -> memref<1x128xi32, #tpu.memory_space<vmem>>
      %dma_start3A_11 = tpu.memref_squeeze %dma_start3A_10 : memref<1x128xi32, #tpu.memory_space<vmem>> -> memref<128xi32, #tpu.memory_space<vmem>>
      %dma_start3A_12 = arith.constant 0 : i32
      %dma_start3A_13 = arith.constant 0 : i32
      %dma_start3A_14 = tpu.memref_slice %arg4[%dma_start3A_12, %dma_start3A_13] : memref<10240x32xf32, #tpu.memory_space<hbm>> -> memref<10240x32xf32, #tpu.memory_space<hbm>>
      tpu.enqueue_indirect_dma source(%dma_start3A_14 : memref<10240x32xf32, #tpu.memory_space<hbm>>) target(%arg9 : memref<128x32xf32, #tpu.memory_space<vmem>>) offsets(%dma_start3A_11 : memref<128xi32, #tpu.memory_space<vmem>>) semaphore(%arg10 : memref<!tpu.dma_semaphore, #tpu.memory_space<semaphore_mem>>)
      %dma_wait3A = arith.constant 0 : i32
      %dma_wait3A_15 = tpu.memref_slice %arg7[%scan3A_9, %dma_wait3A] : memref<80x128xi32, #tpu.memory_space<vmem>> -> memref<1x128xi32, #tpu.memory_space<vmem>>
      %dma_wait3A_16 = tpu.memref_squeeze %dma_wait3A_15 : memref<1x128xi32, #tpu.memory_space<vmem>> -> memref<128xi32, #tpu.memory_space<vmem>>
      %dma_wait3A_17 = arith.constant 0 : i32
      %dma_wait3A_18 = arith.constant 0 : i32
      %dma_wait3A_19 = tpu.memref_slice %arg4[%dma_wait3A_17, %dma_wait3A_18] : memref<10240x32xf32, #tpu.memory_space<hbm>> -> memref<10240x32xf32, #tpu.memory_space<hbm>>
      tpu.wait_indirect_dma semaphore(%arg10 : memref<!tpu.dma_semaphore, #tpu.memory_space<semaphore_mem>>) src(%dma_wait3A_19 : memref<10240x32xf32, #tpu.memory_space<hbm>>) dst(%arg9 : memref<128x32xf32, #tpu.memory_space<vmem>>)
      "tpu.region"() ({
        %run_scoped3A = tpu.sem_alloc : memref<!tpu.dma_semaphore, #tpu.memory_space<semaphore_mem>>
        %dma_start3A_20 = arith.constant 0 : i32
        %dma_start3A_21 = tpu.memref_slice %arg8[%scan3A_9, %dma_start3A_20] : memref<80x128xi32, #tpu.memory_space<vmem>> -> memref<1x128xi32, #tpu.memory_space<vmem>>
        %dma_start3A_22 = tpu.memref_squeeze %dma_start3A_21 : memref<1x128xi32, #tpu.memory_space<vmem>> -> memref<128xi32, #tpu.memory_space<vmem>>
        %dma_start3A_23 = arith.constant 0 : i32
        %dma_start3A_24 = arith.constant 0 : i32
        %dma_start3A_25 = tpu.memref_slice %arg11[%dma_start3A_23, %dma_start3A_24] : memref<10240x32xf32, #tpu.memory_space<vmem_shared>> -> memref<10240x32xf32, #tpu.memory_space<vmem_shared>>
        tpu.enqueue_indirect_dma source(%arg9 : memref<128x32xf32, #tpu.memory_space<vmem>>) target(%dma_start3A_25 : memref<10240x32xf32, #tpu.memory_space<vmem_shared>>) offsets(%dma_start3A_22 : memref<128xi32, #tpu.memory_space<vmem>>) semaphore(%run_scoped3A : memref<!tpu.dma_semaphore, #tpu.memory_space<semaphore_mem>>) {add = true}
        %dma_wait3A_26 = arith.constant 0 : i32
        %dma_wait3A_27 = tpu.memref_slice %arg8[%scan3A_9, %dma_wait3A_26] : memref<80x128xi32, #tpu.memory_space<vmem>> -> memref<1x128xi32, #tpu.memory_space<vmem>>
        %dma_wait3A_28 = tpu.memref_squeeze %dma_wait3A_27 : memref<1x128xi32, #tpu.memory_space<vmem>> -> memref<128xi32, #tpu.memory_space<vmem>>
        %dma_wait3A_29 = arith.constant 0 : i32
        %dma_wait3A_30 = arith.constant 0 : i32
        %dma_wait3A_31 = tpu.memref_slice %arg11[%dma_wait3A_29, %dma_wait3A_30] : memref<10240x32xf32, #tpu.memory_space<vmem_shared>> -> memref<10240x32xf32, #tpu.memory_space<vmem_shared>>
        tpu.wait_indirect_dma semaphore(%run_scoped3A : memref<!tpu.dma_semaphore, #tpu.memory_space<semaphore_mem>>) src(%arg9 : memref<128x32xf32, #tpu.memory_space<vmem>>) dst(%dma_wait3A_31 : memref<10240x32xf32, #tpu.memory_space<vmem_shared>>)
        tpu.yield
      }) : () -> ()
    }
    %scan3A_7 = arith.constant 80 : i32
    %barrier3A_8 = arith.constant 0 : index
    tpu.barrier barrier_id(%barrier3A_8)
    "tpu.region"() ({
      %run_scoped3A = tpu.sem_alloc : memref<!tpu.dma_semaphore, #tpu.memory_space<semaphore_mem>>
      %dma_start3A = arith.constant 0 : i32
      %dma_start3A_9 = tpu.memref_slice %arg6[%arg0, %mul3A_2, %dma_start3A] : memref<2x10240x32xf32, #tpu.memory_space<hbm>> -> memref<1x640x32xf32, #tpu.memory_space<hbm>>
      %dma_start3A_10 = tpu.memref_squeeze %dma_start3A_9 : memref<1x640x32xf32, #tpu.memory_space<hbm>> -> memref<640x32xf32, #tpu.memory_space<hbm>>
      %dma_start3A_11 = arith.constant 0 : i32
      %dma_start3A_12 = tpu.memref_slice %arg11[%mul3A_2, %dma_start3A_11] : memref<10240x32xf32, #tpu.memory_space<vmem_shared>> -> memref<640x32xf32, #tpu.memory_space<vmem_shared>>
      tpu.enqueue_dma source(%dma_start3A_12 : memref<640x32xf32, #tpu.memory_space<vmem_shared>>) target(%dma_start3A_10 : memref<640x32xf32, #tpu.memory_space<hbm>>) target_semaphore(%run_scoped3A : memref<!tpu.dma_semaphore, #tpu.memory_space<semaphore_mem>>)
      %dma_wait3A = arith.constant 0 : i32
      %dma_wait3A_13 = tpu.memref_slice %arg6[%arg0, %mul3A_2, %dma_wait3A] : memref<2x10240x32xf32, #tpu.memory_space<hbm>> -> memref<1x640x32xf32, #tpu.memory_space<hbm>>
      %dma_wait3A_14 = tpu.memref_squeeze %dma_wait3A_13 : memref<1x640x32xf32, #tpu.memory_space<hbm>> -> memref<640x32xf32, #tpu.memory_space<hbm>>
      %dma_wait3A_15 = arith.constant 0 : i32
      %dma_wait3A_16 = tpu.memref_slice %arg11[%mul3A_2, %dma_wait3A_15] : memref<10240x32xf32, #tpu.memory_space<vmem_shared>> -> memref<640x32xf32, #tpu.memory_space<vmem_shared>>
      tpu.wait_dma2 semaphore(%run_scoped3A : memref<!tpu.dma_semaphore, #tpu.memory_space<semaphore_mem>>) src(%dma_wait3A_16 : memref<640x32xf32, #tpu.memory_space<vmem_shared>>) dst(%dma_wait3A_14 : memref<640x32xf32, #tpu.memory_space<hbm>>)
      tpu.yield
    }) : () -> ()
    return
  }
}

#map = affine_map<(d0, d1) -> (0, 0, 0)>
#map1 = affine_map<(d0, d1) -> (0)>
#map2 = affine_map<(d0, d1) -> (0, 0)>
module attributes {stable_mosaic.version = 14 : i64} {
  func.func @conv(%arg0: i32, %arg1: i32, %arg2: memref<32x80x128xi32, #tpu.memory_space<hbm>>, %arg3: memref<32x80x128xi32, #tpu.memory_space<hbm>>, %arg4: memref<10240xf32, #tpu.memory_space<hbm>>, %arg5: memref<10240xf32, #tpu.memory_space<hbm>>, %arg6: memref<2x10240xf32, #tpu.memory_space<hbm>>, %arg7: memref<80x128xi32, #tpu.memory_space<vmem>>, %arg8: memref<80x128xi32, #tpu.memory_space<vmem>>, %arg9: memref<128xf32, #tpu.memory_space<vmem>>, %arg10: memref<!tpu.dma_semaphore, #tpu.memory_space<semaphore_mem>>, %arg11: memref<10240xf32, #tpu.memory_space<vmem_shared>>) attributes {dimension_semantics = [#tpu.dimension_semantics<core_parallel>, #tpu.dimension_semantics<subcore_parallel>], iteration_bounds = array<i64: 2, 16>, scalar_prefetch = 0 : i64, scratch_operands = 5 : i64, tpu.core_type = #tpu.core_type<sc_vector_subcore>, window_params = [{transform_indices = #map}, {transform_indices = #map}, {transform_indices = #map1}, {transform_indices = #map1}, {transform_indices = #map2}]} {
    %mul3A = arith.constant 16 : i32
    %mul3A_0 = arith.muli %arg0, %mul3A : i32
    %add3A = arith.addi %mul3A_0, %arg1 : i32
    %mul3A_1 = arith.constant 640 : i32
    %mul3A_2 = arith.muli %arg1, %mul3A_1 : i32
    "tpu.region"() ({
      %run_scoped3A = tpu.sem_alloc : memref<!tpu.dma_semaphore, #tpu.memory_space<semaphore_mem>>
      %dma_start3A = tpu.memref_slice %arg11[%mul3A_2] : memref<10240xf32, #tpu.memory_space<vmem_shared>> -> memref<640xf32, #tpu.memory_space<vmem_shared>>
      %dma_start3A_9 = tpu.memref_slice %arg5[%mul3A_2] : memref<10240xf32, #tpu.memory_space<hbm>> -> memref<640xf32, #tpu.memory_space<hbm>>
      tpu.enqueue_dma source(%dma_start3A_9 : memref<640xf32, #tpu.memory_space<hbm>>) target(%dma_start3A : memref<640xf32, #tpu.memory_space<vmem_shared>>) target_semaphore(%run_scoped3A : memref<!tpu.dma_semaphore, #tpu.memory_space<semaphore_mem>>)
      %dma_wait3A = tpu.memref_slice %arg11[%mul3A_2] : memref<10240xf32, #tpu.memory_space<vmem_shared>> -> memref<640xf32, #tpu.memory_space<vmem_shared>>
      %dma_wait3A_10 = tpu.memref_slice %arg5[%mul3A_2] : memref<10240xf32, #tpu.memory_space<hbm>> -> memref<640xf32, #tpu.memory_space<hbm>>
      tpu.wait_dma2 semaphore(%run_scoped3A : memref<!tpu.dma_semaphore, #tpu.memory_space<semaphore_mem>>) src(%dma_wait3A_10 : memref<640xf32, #tpu.memory_space<hbm>>) dst(%dma_wait3A : memref<640xf32, #tpu.memory_space<vmem_shared>>)
      tpu.yield
    }) : () -> ()
    "tpu.region"() ({
      %run_scoped3A = tpu.sem_alloc : memref<!tpu.dma_semaphore, #tpu.memory_space<semaphore_mem>>
      %dma_start3A = arith.constant 0 : i32
      %dma_start3A_9 = arith.constant 0 : i32
      %dma_start3A_10 = tpu.memref_slice %arg2[%add3A, %dma_start3A, %dma_start3A_9] : memref<32x80x128xi32, #tpu.memory_space<hbm>> -> memref<1x80x128xi32, #tpu.memory_space<hbm>>
      %dma_start3A_11 = tpu.memref_squeeze %dma_start3A_10 : memref<1x80x128xi32, #tpu.memory_space<hbm>> -> memref<80x128xi32, #tpu.memory_space<hbm>>
      %dma_start3A_12 = arith.constant 0 : i32
      %dma_start3A_13 = arith.constant 0 : i32
      %dma_start3A_14 = tpu.memref_slice %arg2[%add3A, %dma_start3A_12, %dma_start3A_13] : memref<32x80x128xi32, #tpu.memory_space<hbm>> -> memref<1x80x128xi32, #tpu.memory_space<hbm>>
      %dma_start3A_15 = tpu.memref_squeeze %dma_start3A_14 : memref<1x80x128xi32, #tpu.memory_space<hbm>> -> memref<80x128xi32, #tpu.memory_space<hbm>>
      tpu.enqueue_dma source(%dma_start3A_15 : memref<80x128xi32, #tpu.memory_space<hbm>>) target(%arg7 : memref<80x128xi32, #tpu.memory_space<vmem>>) target_semaphore(%run_scoped3A : memref<!tpu.dma_semaphore, #tpu.memory_space<semaphore_mem>>)
      %dma_wait3A = arith.constant 0 : i32
      %dma_wait3A_16 = arith.constant 0 : i32
      %dma_wait3A_17 = tpu.memref_slice %arg2[%add3A, %dma_wait3A, %dma_wait3A_16] : memref<32x80x128xi32, #tpu.memory_space<hbm>> -> memref<1x80x128xi32, #tpu.memory_space<hbm>>
      %dma_wait3A_18 = tpu.memref_squeeze %dma_wait3A_17 : memref<1x80x128xi32, #tpu.memory_space<hbm>> -> memref<80x128xi32, #tpu.memory_space<hbm>>
      %dma_wait3A_19 = arith.constant 0 : i32
      %dma_wait3A_20 = arith.constant 0 : i32
      %dma_wait3A_21 = tpu.memref_slice %arg2[%add3A, %dma_wait3A_19, %dma_wait3A_20] : memref<32x80x128xi32, #tpu.memory_space<hbm>> -> memref<1x80x128xi32, #tpu.memory_space<hbm>>
      %dma_wait3A_22 = tpu.memref_squeeze %dma_wait3A_21 : memref<1x80x128xi32, #tpu.memory_space<hbm>> -> memref<80x128xi32, #tpu.memory_space<hbm>>
      tpu.wait_dma2 semaphore(%run_scoped3A : memref<!tpu.dma_semaphore, #tpu.memory_space<semaphore_mem>>) src(%dma_wait3A_22 : memref<80x128xi32, #tpu.memory_space<hbm>>) dst(%arg7 : memref<80x128xi32, #tpu.memory_space<vmem>>)
      tpu.yield
    }) : () -> ()
    "tpu.region"() ({
      %run_scoped3A = tpu.sem_alloc : memref<!tpu.dma_semaphore, #tpu.memory_space<semaphore_mem>>
      %dma_start3A = arith.constant 0 : i32
      %dma_start3A_9 = arith.constant 0 : i32
      %dma_start3A_10 = tpu.memref_slice %arg3[%add3A, %dma_start3A, %dma_start3A_9] : memref<32x80x128xi32, #tpu.memory_space<hbm>> -> memref<1x80x128xi32, #tpu.memory_space<hbm>>
      %dma_start3A_11 = tpu.memref_squeeze %dma_start3A_10 : memref<1x80x128xi32, #tpu.memory_space<hbm>> -> memref<80x128xi32, #tpu.memory_space<hbm>>
      %dma_start3A_12 = arith.constant 0 : i32
      %dma_start3A_13 = arith.constant 0 : i32
      %dma_start3A_14 = tpu.memref_slice %arg3[%add3A, %dma_start3A_12, %dma_start3A_13] : memref<32x80x128xi32, #tpu.memory_space<hbm>> -> memref<1x80x128xi32, #tpu.memory_space<hbm>>
      %dma_start3A_15 = tpu.memref_squeeze %dma_start3A_14 : memref<1x80x128xi32, #tpu.memory_space<hbm>> -> memref<80x128xi32, #tpu.memory_space<hbm>>
      tpu.enqueue_dma source(%dma_start3A_15 : memref<80x128xi32, #tpu.memory_space<hbm>>) target(%arg8 : memref<80x128xi32, #tpu.memory_space<vmem>>) target_semaphore(%run_scoped3A : memref<!tpu.dma_semaphore, #tpu.memory_space<semaphore_mem>>)
      %dma_wait3A = arith.constant 0 : i32
      %dma_wait3A_16 = arith.constant 0 : i32
      %dma_wait3A_17 = tpu.memref_slice %arg3[%add3A, %dma_wait3A, %dma_wait3A_16] : memref<32x80x128xi32, #tpu.memory_space<hbm>> -> memref<1x80x128xi32, #tpu.memory_space<hbm>>
      %dma_wait3A_18 = tpu.memref_squeeze %dma_wait3A_17 : memref<1x80x128xi32, #tpu.memory_space<hbm>> -> memref<80x128xi32, #tpu.memory_space<hbm>>
      %dma_wait3A_19 = arith.constant 0 : i32
      %dma_wait3A_20 = arith.constant 0 : i32
      %dma_wait3A_21 = tpu.memref_slice %arg3[%add3A, %dma_wait3A_19, %dma_wait3A_20] : memref<32x80x128xi32, #tpu.memory_space<hbm>> -> memref<1x80x128xi32, #tpu.memory_space<hbm>>
      %dma_wait3A_22 = tpu.memref_squeeze %dma_wait3A_21 : memref<1x80x128xi32, #tpu.memory_space<hbm>> -> memref<80x128xi32, #tpu.memory_space<hbm>>
      tpu.wait_dma2 semaphore(%run_scoped3A : memref<!tpu.dma_semaphore, #tpu.memory_space<semaphore_mem>>) src(%dma_wait3A_22 : memref<80x128xi32, #tpu.memory_space<hbm>>) dst(%arg8 : memref<80x128xi32, #tpu.memory_space<vmem>>)
      tpu.yield
    }) : () -> ()
    %barrier3A = arith.constant 0 : index
    tpu.barrier barrier_id(%barrier3A)
    %scan3A = arith.constant 0 : i32
    %scan3A_3 = arith.constant 0 : i32
    %scan3A_4 = arith.constant 80 : i32
    %scan3A_5 = arith.addi %scan3A_3, %scan3A_4 : i32
    %scan3A_6 = arith.constant 1 : i32
    scf.for %scan3A_9 = %scan3A_3 to %scan3A_5 step %scan3A_6  : i32 {
      %dma_start3A = arith.constant 0 : i32
      %dma_start3A_10 = tpu.memref_slice %arg7[%scan3A_9, %dma_start3A] : memref<80x128xi32, #tpu.memory_space<vmem>> -> memref<1x128xi32, #tpu.memory_space<vmem>>
      %dma_start3A_11 = tpu.memref_squeeze %dma_start3A_10 : memref<1x128xi32, #tpu.memory_space<vmem>> -> memref<128xi32, #tpu.memory_space<vmem>>
      %dma_start3A_12 = arith.constant 0 : i32
      %dma_start3A_13 = tpu.memref_slice %arg4[%dma_start3A_12] : memref<10240xf32, #tpu.memory_space<hbm>> -> memref<10240xf32, #tpu.memory_space<hbm>>
      tpu.enqueue_indirect_dma source(%dma_start3A_13 : memref<10240xf32, #tpu.memory_space<hbm>>) target(%arg9 : memref<128xf32, #tpu.memory_space<vmem>>) offsets(%dma_start3A_11 : memref<128xi32, #tpu.memory_space<vmem>>) semaphore(%arg10 : memref<!tpu.dma_semaphore, #tpu.memory_space<semaphore_mem>>)
      %dma_wait3A = arith.constant 0 : i32
      %dma_wait3A_14 = tpu.memref_slice %arg7[%scan3A_9, %dma_wait3A] : memref<80x128xi32, #tpu.memory_space<vmem>> -> memref<1x128xi32, #tpu.memory_space<vmem>>
      %dma_wait3A_15 = tpu.memref_squeeze %dma_wait3A_14 : memref<1x128xi32, #tpu.memory_space<vmem>> -> memref<128xi32, #tpu.memory_space<vmem>>
      %dma_wait3A_16 = arith.constant 0 : i32
      %dma_wait3A_17 = tpu.memref_slice %arg4[%dma_wait3A_16] : memref<10240xf32, #tpu.memory_space<hbm>> -> memref<10240xf32, #tpu.memory_space<hbm>>
      tpu.wait_indirect_dma semaphore(%arg10 : memref<!tpu.dma_semaphore, #tpu.memory_space<semaphore_mem>>) src(%dma_wait3A_17 : memref<10240xf32, #tpu.memory_space<hbm>>) dst(%arg9 : memref<128xf32, #tpu.memory_space<vmem>>)
      "tpu.region"() ({
        %run_scoped3A = tpu.sem_alloc : memref<!tpu.dma_semaphore, #tpu.memory_space<semaphore_mem>>
        %dma_start3A_18 = arith.constant 0 : i32
        %dma_start3A_19 = tpu.memref_slice %arg8[%scan3A_9, %dma_start3A_18] : memref<80x128xi32, #tpu.memory_space<vmem>> -> memref<1x128xi32, #tpu.memory_space<vmem>>
        %dma_start3A_20 = tpu.memref_squeeze %dma_start3A_19 : memref<1x128xi32, #tpu.memory_space<vmem>> -> memref<128xi32, #tpu.memory_space<vmem>>
        %dma_start3A_21 = arith.constant 0 : i32
        %dma_start3A_22 = tpu.memref_slice %arg11[%dma_start3A_21] : memref<10240xf32, #tpu.memory_space<vmem_shared>> -> memref<10240xf32, #tpu.memory_space<vmem_shared>>
        tpu.enqueue_indirect_dma source(%arg9 : memref<128xf32, #tpu.memory_space<vmem>>) target(%dma_start3A_22 : memref<10240xf32, #tpu.memory_space<vmem_shared>>) offsets(%dma_start3A_20 : memref<128xi32, #tpu.memory_space<vmem>>) semaphore(%run_scoped3A : memref<!tpu.dma_semaphore, #tpu.memory_space<semaphore_mem>>) {add = true}
        %dma_wait3A_23 = arith.constant 0 : i32
        %dma_wait3A_24 = tpu.memref_slice %arg8[%scan3A_9, %dma_wait3A_23] : memref<80x128xi32, #tpu.memory_space<vmem>> -> memref<1x128xi32, #tpu.memory_space<vmem>>
        %dma_wait3A_25 = tpu.memref_squeeze %dma_wait3A_24 : memref<1x128xi32, #tpu.memory_space<vmem>> -> memref<128xi32, #tpu.memory_space<vmem>>
        %dma_wait3A_26 = arith.constant 0 : i32
        %dma_wait3A_27 = tpu.memref_slice %arg11[%dma_wait3A_26] : memref<10240xf32, #tpu.memory_space<vmem_shared>> -> memref<10240xf32, #tpu.memory_space<vmem_shared>>
        tpu.wait_indirect_dma semaphore(%run_scoped3A : memref<!tpu.dma_semaphore, #tpu.memory_space<semaphore_mem>>) src(%arg9 : memref<128xf32, #tpu.memory_space<vmem>>) dst(%dma_wait3A_27 : memref<10240xf32, #tpu.memory_space<vmem_shared>>)
        tpu.yield
      }) : () -> ()
    }
    %scan3A_7 = arith.constant 80 : i32
    %barrier3A_8 = arith.constant 0 : index
    tpu.barrier barrier_id(%barrier3A_8)
    "tpu.region"() ({
      %run_scoped3A = tpu.sem_alloc : memref<!tpu.dma_semaphore, #tpu.memory_space<semaphore_mem>>
      %dma_start3A = tpu.memref_slice %arg6[%arg0, %mul3A_2] : memref<2x10240xf32, #tpu.memory_space<hbm>> -> memref<1x640xf32, #tpu.memory_space<hbm>>
      %dma_start3A_9 = tpu.memref_squeeze %dma_start3A : memref<1x640xf32, #tpu.memory_space<hbm>> -> memref<640xf32, #tpu.memory_space<hbm>>
      %dma_start3A_10 = tpu.memref_slice %arg11[%mul3A_2] : memref<10240xf32, #tpu.memory_space<vmem_shared>> -> memref<640xf32, #tpu.memory_space<vmem_shared>>
      tpu.enqueue_dma source(%dma_start3A_10 : memref<640xf32, #tpu.memory_space<vmem_shared>>) target(%dma_start3A_9 : memref<640xf32, #tpu.memory_space<hbm>>) target_semaphore(%run_scoped3A : memref<!tpu.dma_semaphore, #tpu.memory_space<semaphore_mem>>)
      %dma_wait3A = tpu.memref_slice %arg6[%arg0, %mul3A_2] : memref<2x10240xf32, #tpu.memory_space<hbm>> -> memref<1x640xf32, #tpu.memory_space<hbm>>
      %dma_wait3A_11 = tpu.memref_squeeze %dma_wait3A : memref<1x640xf32, #tpu.memory_space<hbm>> -> memref<640xf32, #tpu.memory_space<hbm>>
      %dma_wait3A_12 = tpu.memref_slice %arg11[%mul3A_2] : memref<10240xf32, #tpu.memory_space<vmem_shared>> -> memref<640xf32, #tpu.memory_space<vmem_shared>>
      tpu.wait_dma2 semaphore(%run_scoped3A : memref<!tpu.dma_semaphore, #tpu.memory_space<semaphore_mem>>) src(%dma_wait3A_12 : memref<640xf32, #tpu.memory_space<vmem_shared>>) dst(%dma_wait3A_11 : memref<640xf32, #tpu.memory_space<hbm>>)
      tpu.yield
    }) : () -> ()
    return
  }
}

module attributes {stable_mosaic.version = 14 : i64} {
  func.func @_tc_a_body(%arg0: i32, %arg1: memref<512x128xf32, #tpu.memory_space<vmem>>, %arg2: memref<2x512x1xf32, #tpu.memory_space<vmem>>, %arg3: memref<2x512x1xf32, #tpu.memory_space<vmem>>, %arg4: memref<128x32xf32, #tpu.memory_space<vmem>>, %arg5: memref<1x32xf32, #tpu.memory_space<vmem>>, %arg6: memref<512x1xf32, #tpu.memory_space<vmem>>, %arg7: memref<512x1xf32, #tpu.memory_space<vmem>>, %arg8: memref<512x32xf32, #tpu.memory_space<vmem>>) attributes {dimension_semantics = [#tpu.dimension_semantics<arbitrary>], iteration_bounds = array<i64: 20>, scalar_prefetch = 0 : i64, scratch_operands = 0 : i64, tpu.core_type = #tpu.core_type<tc>, window_params = [{transform_indices = @transform_0, window_bounds = array<i64: 512, 128>}, {transform_indices = @transform_1, window_bounds = array<i64: 2, 512, 1>}, {transform_indices = @transform_2, window_bounds = array<i64: 2, 512, 1>}, {pipeline_mode = #tpu.pipeline_mode<synchronous>, transform_indices = @transform_3, window_bounds = array<i64: 128, 32>}, {pipeline_mode = #tpu.pipeline_mode<synchronous>, transform_indices = @transform_4, window_bounds = array<i64: 1, 32>}, {transform_indices = @transform_5, window_bounds = array<i64: 512, 1>}, {transform_indices = @transform_6, window_bounds = array<i64: 512, 1>}, {transform_indices = @transform_7, window_bounds = array<i64: 512, 32>}]} {
    %get3A = arith.constant 0 : index
    %get3A_0 = arith.constant 0 : index
    %get3A_1 = arith.constant 0 : index
    %get3A_2 = vector.load %arg2[%get3A, %get3A_0, %get3A_1] : memref<2x512x1xf32, #tpu.memory_space<vmem>>, vector<1x512x1xf32>
    %get3A_3 = vector.shape_cast %get3A_2 : vector<1x512x1xf32> to vector<512x1xf32>
    %get3A_4 = arith.constant 1 : index
    %get3A_5 = arith.constant 0 : index
    %get3A_6 = arith.constant 0 : index
    %get3A_7 = vector.load %arg2[%get3A_4, %get3A_5, %get3A_6] : memref<2x512x1xf32, #tpu.memory_space<vmem>>, vector<1x512x1xf32>
    %get3A_8 = vector.shape_cast %get3A_7 : vector<1x512x1xf32> to vector<512x1xf32>
    %add3A = arith.addf %get3A_3, %get3A_8 : vector<512x1xf32>
    %add3A_9 = arith.constant 1.000000e+00 : f32
    %add3A_10 = vector.broadcast %add3A_9 : f32 to vector<512x1xf32>
    %add3A_11 = arith.addf %add3A, %add3A_10 : vector<512x1xf32>
    %rsqrt3A = math.rsqrt %add3A_11 : vector<512x1xf32>
    %get3A_12 = arith.constant 0 : index
    %get3A_13 = arith.constant 0 : index
    %get3A_14 = arith.constant 0 : index
    %get3A_15 = vector.load %arg3[%get3A_12, %get3A_13, %get3A_14] : memref<2x512x1xf32, #tpu.memory_space<vmem>>, vector<1x512x1xf32>
    %get3A_16 = vector.shape_cast %get3A_15 : vector<1x512x1xf32> to vector<512x1xf32>
    %get3A_17 = arith.constant 1 : index
    %get3A_18 = arith.constant 0 : index
    %get3A_19 = arith.constant 0 : index
    %get3A_20 = vector.load %arg3[%get3A_17, %get3A_18, %get3A_19] : memref<2x512x1xf32, #tpu.memory_space<vmem>>, vector<1x512x1xf32>
    %get3A_21 = vector.shape_cast %get3A_20 : vector<1x512x1xf32> to vector<512x1xf32>
    %add3A_22 = arith.addf %get3A_16, %get3A_21 : vector<512x1xf32>
    %get3A_23 = arith.constant 0 : index
    %get3A_24 = arith.constant 0 : index
    %get3A_25 = vector.load %arg1[%get3A_23, %get3A_24] : memref<512x128xf32, #tpu.memory_space<vmem>>, vector<512x128xf32>
    %get3A_26 = arith.constant 0 : index
    %get3A_27 = arith.constant 0 : index
    %get3A_28 = vector.load %arg4[%get3A_26, %get3A_27] : memref<128x32xf32, #tpu.memory_space<vmem>>, vector<128x32xf32>
    %dot_general3A = arith.constant dense<0.000000e+00> : vector<512x32xf32>
    %dot_general3A_29 = tpu.matmul %get3A_25, %get3A_28, %dot_general3A {dimension_numbers = #tpu.dot_dimension_numbers<[1], [0], [0], [1], [0, 0, 1, 1], [], []>, transpose_lhs_hint = false} : vector<512x128xf32>, vector<128x32xf32>, vector<512x32xf32> -> vector<512x32xf32>
    %get3A_30 = arith.constant 0 : index
    %get3A_31 = arith.constant 0 : index
    %get3A_32 = vector.load %arg5[%get3A_30, %get3A_31] : memref<1x32xf32, #tpu.memory_space<vmem>>, vector<1x32xf32>
    %mul3A = vector.broadcast %add3A_22 : vector<512x1xf32> to vector<512x32xf32>
    %mul3A_33 = vector.broadcast %get3A_32 : vector<1x32xf32> to vector<512x32xf32>
    %mul3A_34 = arith.mulf %mul3A, %mul3A_33 : vector<512x32xf32>
    %add3A_35 = arith.addf %dot_general3A_29, %mul3A_34 : vector<512x32xf32>
    %swap3A = arith.constant 0 : index
    %swap3A_36 = arith.constant 0 : index
    %swap3A_37 = vector.load %arg6[%swap3A, %swap3A_36] : memref<512x1xf32, #tpu.memory_space<vmem>>, vector<512x1xf32>
    tpu.vector_store %arg6[%swap3A, %swap3A_36], %rsqrt3A {strides = array<i32>} : memref<512x1xf32, #tpu.memory_space<vmem>>, vector<512x1xf32>,
    %swap3A_38 = arith.constant 0 : index
    %swap3A_39 = arith.constant 0 : index
    %swap3A_40 = vector.load %arg7[%swap3A_38, %swap3A_39] : memref<512x1xf32, #tpu.memory_space<vmem>>, vector<512x1xf32>
    tpu.vector_store %arg7[%swap3A_38, %swap3A_39], %add3A_22 {strides = array<i32>} : memref<512x1xf32, #tpu.memory_space<vmem>>, vector<512x1xf32>,
    %mul3A_41 = vector.broadcast %rsqrt3A : vector<512x1xf32> to vector<512x32xf32>
    %mul3A_42 = arith.mulf %mul3A_41, %add3A_35 : vector<512x32xf32>
    %swap3A_43 = arith.constant 0 : index
    %swap3A_44 = arith.constant 0 : index
    %swap3A_45 = vector.load %arg8[%swap3A_43, %swap3A_44] : memref<512x32xf32, #tpu.memory_space<vmem>>, vector<512x32xf32>
    tpu.vector_store %arg8[%swap3A_43, %swap3A_44], %mul3A_42 {strides = array<i32>} : memref<512x32xf32, #tpu.memory_space<vmem>>, vector<512x32xf32>,
    return
  }
  func.func @transform_0(%arg0: i32) -> (i32, i32) {
    %c0_i32 = arith.constant 0 : i32
    %c0_i32_0 = arith.constant 0 : i32
    return %arg0, %c0_i32 : i32, i32
  }
  func.func @transform_1(%arg0: i32) -> (i32, i32, i32) {
    %c0_i32 = arith.constant 0 : i32
    %c0_i32_0 = arith.constant 0 : i32
    %c0_i32_1 = arith.constant 0 : i32
    return %c0_i32, %arg0, %c0_i32_0 : i32, i32, i32
  }
  func.func @transform_2(%arg0: i32) -> (i32, i32, i32) {
    %c0_i32 = arith.constant 0 : i32
    %c0_i32_0 = arith.constant 0 : i32
    %c0_i32_1 = arith.constant 0 : i32
    return %c0_i32, %arg0, %c0_i32_0 : i32, i32, i32
  }
  func.func @transform_3(%arg0: i32) -> (i32, i32) {
    %c0_i32 = arith.constant 0 : i32
    %c0_i32_0 = arith.constant 0 : i32
    %c0_i32_1 = arith.constant 0 : i32
    return %c0_i32, %c0_i32_0 : i32, i32
  }
  func.func @transform_4(%arg0: i32) -> (i32, i32) {
    %c0_i32 = arith.constant 0 : i32
    %c0_i32_0 = arith.constant 0 : i32
    %c0_i32_1 = arith.constant 0 : i32
    return %c0_i32, %c0_i32_0 : i32, i32
  }
  func.func @transform_5(%arg0: i32) -> (i32, i32) {
    %c0_i32 = arith.constant 0 : i32
    %c0_i32_0 = arith.constant 0 : i32
    return %arg0, %c0_i32 : i32, i32
  }
  func.func @transform_6(%arg0: i32) -> (i32, i32) {
    %c0_i32 = arith.constant 0 : i32
    %c0_i32_0 = arith.constant 0 : i32
    return %arg0, %c0_i32 : i32, i32
  }
  func.func @transform_7(%arg0: i32) -> (i32, i32) {
    %c0_i32 = arith.constant 0 : i32
    %c0_i32_0 = arith.constant 0 : i32
    return %arg0, %c0_i32 : i32, i32
  }
}

module attributes {stable_mosaic.version = 14 : i64} {
  func.func @_tc_b_body(%arg0: i32, %arg1: memref<2x512x32xf32, #tpu.memory_space<vmem>>, %arg2: memref<512x32xf32, #tpu.memory_space<vmem>>, %arg3: memref<512x1xf32, #tpu.memory_space<vmem>>, %arg4: memref<32x32xf32, #tpu.memory_space<vmem>>, %arg5: memref<1x32xf32, #tpu.memory_space<vmem>>, %arg6: memref<512x32xf32, #tpu.memory_space<vmem>>, %arg7: memref<512x32xf32, #tpu.memory_space<vmem>>) attributes {dimension_semantics = [#tpu.dimension_semantics<arbitrary>], iteration_bounds = array<i64: 20>, scalar_prefetch = 0 : i64, scratch_operands = 0 : i64, tpu.core_type = #tpu.core_type<tc>, window_params = [{transform_indices = @transform_0, window_bounds = array<i64: 2, 512, 32>}, {transform_indices = @transform_1, window_bounds = array<i64: 512, 32>}, {transform_indices = @transform_2, window_bounds = array<i64: 512, 1>}, {pipeline_mode = #tpu.pipeline_mode<synchronous>, transform_indices = @transform_3, window_bounds = array<i64: 32, 32>}, {pipeline_mode = #tpu.pipeline_mode<synchronous>, transform_indices = @transform_4, window_bounds = array<i64: 1, 32>}, {transform_indices = @transform_5, window_bounds = array<i64: 512, 32>}, {transform_indices = @transform_6, window_bounds = array<i64: 512, 32>}]} {
    %get3A = arith.constant 0 : index
    %get3A_0 = arith.constant 0 : index
    %get3A_1 = vector.load %arg3[%get3A, %get3A_0] : memref<512x1xf32, #tpu.memory_space<vmem>>, vector<512x1xf32>
    %get3A_2 = arith.constant 0 : index
    %get3A_3 = arith.constant 0 : index
    %get3A_4 = arith.constant 0 : index
    %get3A_5 = vector.load %arg1[%get3A_2, %get3A_3, %get3A_4] : memref<2x512x32xf32, #tpu.memory_space<vmem>>, vector<1x512x32xf32>
    %get3A_6 = vector.shape_cast %get3A_5 : vector<1x512x32xf32> to vector<512x32xf32>
    %get3A_7 = arith.constant 1 : index
    %get3A_8 = arith.constant 0 : index
    %get3A_9 = arith.constant 0 : index
    %get3A_10 = vector.load %arg1[%get3A_7, %get3A_8, %get3A_9] : memref<2x512x32xf32, #tpu.memory_space<vmem>>, vector<1x512x32xf32>
    %get3A_11 = vector.shape_cast %get3A_10 : vector<1x512x32xf32> to vector<512x32xf32>
    %add3A = arith.addf %get3A_6, %get3A_11 : vector<512x32xf32>
    %get3A_12 = arith.constant 0 : index
    %get3A_13 = arith.constant 0 : index
    %get3A_14 = vector.load %arg2[%get3A_12, %get3A_13] : memref<512x32xf32, #tpu.memory_space<vmem>>, vector<512x32xf32>
    %add3A_15 = arith.addf %add3A, %get3A_14 : vector<512x32xf32>
    %mul3A = vector.broadcast %get3A_1 : vector<512x1xf32> to vector<512x32xf32>
    %mul3A_16 = arith.mulf %mul3A, %add3A_15 : vector<512x32xf32>
    %get3A_17 = arith.constant 0 : index
    %get3A_18 = arith.constant 0 : index
    %get3A_19 = vector.load %arg5[%get3A_17, %get3A_18] : memref<1x32xf32, #tpu.memory_space<vmem>>, vector<1x32xf32>
    %add3A_20 = vector.broadcast %get3A_19 : vector<1x32xf32> to vector<512x32xf32>
    %add3A_21 = arith.addf %mul3A_16, %add3A_20 : vector<512x32xf32>
    %swap3A = arith.constant 0 : index
    %swap3A_22 = arith.constant 0 : index
    %swap3A_23 = vector.load %arg6[%swap3A, %swap3A_22] : memref<512x32xf32, #tpu.memory_space<vmem>>, vector<512x32xf32>
    tpu.vector_store %arg6[%swap3A, %swap3A_22], %add3A_21 {strides = array<i32>} : memref<512x32xf32, #tpu.memory_space<vmem>>, vector<512x32xf32>,
    %get3A_24 = arith.constant 0 : index
    %get3A_25 = arith.constant 0 : index
    %get3A_26 = vector.load %arg4[%get3A_24, %get3A_25] : memref<32x32xf32, #tpu.memory_space<vmem>>, vector<32x32xf32>
    %dot_general3A = arith.constant dense<0.000000e+00> : vector<512x32xf32>
    %dot_general3A_27 = tpu.matmul %add3A_21, %get3A_26, %dot_general3A {dimension_numbers = #tpu.dot_dimension_numbers<[1], [0], [0], [1], [0, 0, 1, 1], [], []>, transpose_lhs_hint = false} : vector<512x32xf32>, vector<32x32xf32>, vector<512x32xf32> -> vector<512x32xf32>
    %mul3A_28 = vector.broadcast %get3A_1 : vector<512x1xf32> to vector<512x32xf32>
    %mul3A_29 = arith.mulf %mul3A_28, %dot_general3A_27 : vector<512x32xf32>
    %swap3A_30 = arith.constant 0 : index
    %swap3A_31 = arith.constant 0 : index
    %swap3A_32 = vector.load %arg7[%swap3A_30, %swap3A_31] : memref<512x32xf32, #tpu.memory_space<vmem>>, vector<512x32xf32>
    tpu.vector_store %arg7[%swap3A_30, %swap3A_31], %mul3A_29 {strides = array<i32>} : memref<512x32xf32, #tpu.memory_space<vmem>>, vector<512x32xf32>,
    return
  }
  func.func @transform_0(%arg0: i32) -> (i32, i32, i32) {
    %c0_i32 = arith.constant 0 : i32
    %c0_i32_0 = arith.constant 0 : i32
    %c0_i32_1 = arith.constant 0 : i32
    return %c0_i32, %arg0, %c0_i32_0 : i32, i32, i32
  }
  func.func @transform_1(%arg0: i32) -> (i32, i32) {
    %c0_i32 = arith.constant 0 : i32
    %c0_i32_0 = arith.constant 0 : i32
    return %arg0, %c0_i32 : i32, i32
  }
  func.func @transform_2(%arg0: i32) -> (i32, i32) {
    %c0_i32 = arith.constant 0 : i32
    %c0_i32_0 = arith.constant 0 : i32
    return %arg0, %c0_i32 : i32, i32
  }
  func.func @transform_3(%arg0: i32) -> (i32, i32) {
    %c0_i32 = arith.constant 0 : i32
    %c0_i32_0 = arith.constant 0 : i32
    %c0_i32_1 = arith.constant 0 : i32
    return %c0_i32, %c0_i32_0 : i32, i32
  }
  func.func @transform_4(%arg0: i32) -> (i32, i32) {
    %c0_i32 = arith.constant 0 : i32
    %c0_i32_0 = arith.constant 0 : i32
    %c0_i32_1 = arith.constant 0 : i32
    return %c0_i32, %c0_i32_0 : i32, i32
  }
  func.func @transform_5(%arg0: i32) -> (i32, i32) {
    %c0_i32 = arith.constant 0 : i32
    %c0_i32_0 = arith.constant 0 : i32
    return %arg0, %c0_i32 : i32, i32
  }
  func.func @transform_6(%arg0: i32) -> (i32, i32) {
    %c0_i32 = arith.constant 0 : i32
    %c0_i32_0 = arith.constant 0 : i32
    return %arg0, %c0_i32 : i32, i32
  }
}

module attributes {stable_mosaic.version = 14 : i64} {
  func.func @_tc_b_body(%arg0: i32, %arg1: memref<2x512x32xf32, #tpu.memory_space<vmem>>, %arg2: memref<512x32xf32, #tpu.memory_space<vmem>>, %arg3: memref<512x1xf32, #tpu.memory_space<vmem>>, %arg4: memref<32x1xf32, #tpu.memory_space<vmem>>, %arg5: memref<1x32xf32, #tpu.memory_space<vmem>>, %arg6: memref<512x32xf32, #tpu.memory_space<vmem>>, %arg7: memref<512x1xf32, #tpu.memory_space<vmem>>) attributes {dimension_semantics = [#tpu.dimension_semantics<arbitrary>], iteration_bounds = array<i64: 20>, scalar_prefetch = 0 : i64, scratch_operands = 0 : i64, tpu.core_type = #tpu.core_type<tc>, window_params = [{transform_indices = @transform_0, window_bounds = array<i64: 2, 512, 32>}, {transform_indices = @transform_1, window_bounds = array<i64: 512, 32>}, {transform_indices = @transform_2, window_bounds = array<i64: 512, 1>}, {pipeline_mode = #tpu.pipeline_mode<synchronous>, transform_indices = @transform_3, window_bounds = array<i64: 32, 1>}, {pipeline_mode = #tpu.pipeline_mode<synchronous>, transform_indices = @transform_4, window_bounds = array<i64: 1, 32>}, {transform_indices = @transform_5, window_bounds = array<i64: 512, 32>}, {transform_indices = @transform_6, window_bounds = array<i64: 512, 1>}]} {
    %get3A = arith.constant 0 : index
    %get3A_0 = arith.constant 0 : index
    %get3A_1 = vector.load %arg3[%get3A, %get3A_0] : memref<512x1xf32, #tpu.memory_space<vmem>>, vector<512x1xf32>
    %get3A_2 = arith.constant 0 : index
    %get3A_3 = arith.constant 0 : index
    %get3A_4 = arith.constant 0 : index
    %get3A_5 = vector.load %arg1[%get3A_2, %get3A_3, %get3A_4] : memref<2x512x32xf32, #tpu.memory_space<vmem>>, vector<1x512x32xf32>
    %get3A_6 = vector.shape_cast %get3A_5 : vector<1x512x32xf32> to vector<512x32xf32>
    %get3A_7 = arith.constant 1 : index
    %get3A_8 = arith.constant 0 : index
    %get3A_9 = arith.constant 0 : index
    %get3A_10 = vector.load %arg1[%get3A_7, %get3A_8, %get3A_9] : memref<2x512x32xf32, #tpu.memory_space<vmem>>, vector<1x512x32xf32>
    %get3A_11 = vector.shape_cast %get3A_10 : vector<1x512x32xf32> to vector<512x32xf32>
    %add3A = arith.addf %get3A_6, %get3A_11 : vector<512x32xf32>
    %get3A_12 = arith.constant 0 : index
    %get3A_13 = arith.constant 0 : index
    %get3A_14 = vector.load %arg2[%get3A_12, %get3A_13] : memref<512x32xf32, #tpu.memory_space<vmem>>, vector<512x32xf32>
    %add3A_15 = arith.addf %add3A, %get3A_14 : vector<512x32xf32>
    %mul3A = vector.broadcast %get3A_1 : vector<512x1xf32> to vector<512x32xf32>
    %mul3A_16 = arith.mulf %mul3A, %add3A_15 : vector<512x32xf32>
    %get3A_17 = arith.constant 0 : index
    %get3A_18 = arith.constant 0 : index
    %get3A_19 = vector.load %arg5[%get3A_17, %get3A_18] : memref<1x32xf32, #tpu.memory_space<vmem>>, vector<1x32xf32>
    %add3A_20 = vector.broadcast %get3A_19 : vector<1x32xf32> to vector<512x32xf32>
    %add3A_21 = arith.addf %mul3A_16, %add3A_20 : vector<512x32xf32>
    %swap3A = arith.constant 0 : index
    %swap3A_22 = arith.constant 0 : index
    %swap3A_23 = vector.load %arg6[%swap3A, %swap3A_22] : memref<512x32xf32, #tpu.memory_space<vmem>>, vector<512x32xf32>
    tpu.vector_store %arg6[%swap3A, %swap3A_22], %add3A_21 {strides = array<i32>} : memref<512x32xf32, #tpu.memory_space<vmem>>, vector<512x32xf32>,
    %get3A_24 = arith.constant 0 : index
    %get3A_25 = arith.constant 0 : index
    %get3A_26 = vector.load %arg4[%get3A_24, %get3A_25] : memref<32x1xf32, #tpu.memory_space<vmem>>, vector<32x1xf32>
    %dot_general3A = arith.constant dense<0.000000e+00> : vector<512x1xf32>
    %dot_general3A_27 = tpu.matmul %add3A_21, %get3A_26, %dot_general3A {dimension_numbers = #tpu.dot_dimension_numbers<[1], [0], [0], [1], [0, 0, 1, 1], [], []>, transpose_lhs_hint = false} : vector<512x32xf32>, vector<32x1xf32>, vector<512x1xf32> -> vector<512x1xf32>
    %mul3A_28 = arith.mulf %get3A_1, %dot_general3A_27 : vector<512x1xf32>
    %swap3A_29 = arith.constant 0 : index
    %swap3A_30 = arith.constant 0 : index
    %swap3A_31 = vector.load %arg7[%swap3A_29, %swap3A_30] : memref<512x1xf32, #tpu.memory_space<vmem>>, vector<512x1xf32>
    tpu.vector_store %arg7[%swap3A_29, %swap3A_30], %mul3A_28 {strides = array<i32>} : memref<512x1xf32, #tpu.memory_space<vmem>>, vector<512x1xf32>,
    return
  }
  func.func @transform_0(%arg0: i32) -> (i32, i32, i32) {
    %c0_i32 = arith.constant 0 : i32
    %c0_i32_0 = arith.constant 0 : i32
    %c0_i32_1 = arith.constant 0 : i32
    return %c0_i32, %arg0, %c0_i32_0 : i32, i32, i32
  }
  func.func @transform_1(%arg0: i32) -> (i32, i32) {
    %c0_i32 = arith.constant 0 : i32
    %c0_i32_0 = arith.constant 0 : i32
    return %arg0, %c0_i32 : i32, i32
  }
  func.func @transform_2(%arg0: i32) -> (i32, i32) {
    %c0_i32 = arith.constant 0 : i32
    %c0_i32_0 = arith.constant 0 : i32
    return %arg0, %c0_i32 : i32, i32
  }
  func.func @transform_3(%arg0: i32) -> (i32, i32) {
    %c0_i32 = arith.constant 0 : i32
    %c0_i32_0 = arith.constant 0 : i32
    %c0_i32_1 = arith.constant 0 : i32
    return %c0_i32, %c0_i32_0 : i32, i32
  }
  func.func @transform_4(%arg0: i32) -> (i32, i32) {
    %c0_i32 = arith.constant 0 : i32
    %c0_i32_0 = arith.constant 0 : i32
    %c0_i32_1 = arith.constant 0 : i32
    return %c0_i32, %c0_i32_0 : i32, i32
  }
  func.func @transform_5(%arg0: i32) -> (i32, i32) {
    %c0_i32 = arith.constant 0 : i32
    %c0_i32_0 = arith.constant 0 : i32
    return %arg0, %c0_i32 : i32, i32
  }
  func.func @transform_6(%arg0: i32) -> (i32, i32) {
    %c0_i32 = arith.constant 0 : i32
    %c0_i32_0 = arith.constant 0 : i32
    return %arg0, %c0_i32 : i32, i32
  }
}

module attributes {stable_mosaic.version = 14 : i64} {
  func.func @_tc_final_body(%arg0: i32, %arg1: memref<2x512x1xf32, #tpu.memory_space<vmem>>, %arg2: memref<512x1xf32, #tpu.memory_space<vmem>>, %arg3: memref<512x1xf32, #tpu.memory_space<vmem>>, %arg4: memref<1x1xf32, #tpu.memory_space<vmem>>, %arg5: memref<512x1xf32, #tpu.memory_space<vmem>>) attributes {dimension_semantics = [#tpu.dimension_semantics<arbitrary>], iteration_bounds = array<i64: 20>, scalar_prefetch = 0 : i64, scratch_operands = 0 : i64, tpu.core_type = #tpu.core_type<tc>, window_params = [{transform_indices = @transform_0, window_bounds = array<i64: 2, 512, 1>}, {transform_indices = @transform_1, window_bounds = array<i64: 512, 1>}, {transform_indices = @transform_2, window_bounds = array<i64: 512, 1>}, {pipeline_mode = #tpu.pipeline_mode<synchronous>, transform_indices = @transform_3, window_bounds = array<i64: 1, 1>}, {transform_indices = @transform_4, window_bounds = array<i64: 512, 1>}]} {
    %get3A = arith.constant 0 : index
    %get3A_0 = arith.constant 0 : index
    %get3A_1 = vector.load %arg3[%get3A, %get3A_0] : memref<512x1xf32, #tpu.memory_space<vmem>>, vector<512x1xf32>
    %get3A_2 = arith.constant 0 : index
    %get3A_3 = arith.constant 0 : index
    %get3A_4 = arith.constant 0 : index
    %get3A_5 = vector.load %arg1[%get3A_2, %get3A_3, %get3A_4] : memref<2x512x1xf32, #tpu.memory_space<vmem>>, vector<1x512x1xf32>
    %get3A_6 = vector.shape_cast %get3A_5 : vector<1x512x1xf32> to vector<512x1xf32>
    %get3A_7 = arith.constant 1 : index
    %get3A_8 = arith.constant 0 : index
    %get3A_9 = arith.constant 0 : index
    %get3A_10 = vector.load %arg1[%get3A_7, %get3A_8, %get3A_9] : memref<2x512x1xf32, #tpu.memory_space<vmem>>, vector<1x512x1xf32>
    %get3A_11 = vector.shape_cast %get3A_10 : vector<1x512x1xf32> to vector<512x1xf32>
    %add3A = arith.addf %get3A_6, %get3A_11 : vector<512x1xf32>
    %get3A_12 = arith.constant 0 : index
    %get3A_13 = arith.constant 0 : index
    %get3A_14 = vector.load %arg2[%get3A_12, %get3A_13] : memref<512x1xf32, #tpu.memory_space<vmem>>, vector<512x1xf32>
    %add3A_15 = arith.addf %add3A, %get3A_14 : vector<512x1xf32>
    %mul3A = arith.mulf %get3A_1, %add3A_15 : vector<512x1xf32>
    %get3A_16 = arith.constant 0 : index
    %get3A_17 = arith.constant 0 : index
    %get3A_18 = vector.load %arg4[%get3A_16, %get3A_17] : memref<1x1xf32, #tpu.memory_space<vmem>>, vector<1x1xf32>
    %add3A_19 = vector.broadcast %get3A_18 : vector<1x1xf32> to vector<512x1xf32>
    %add3A_20 = arith.addf %mul3A, %add3A_19 : vector<512x1xf32>
    %swap3A = arith.constant 0 : index
    %swap3A_21 = arith.constant 0 : index
    %swap3A_22 = vector.load %arg5[%swap3A, %swap3A_21] : memref<512x1xf32, #tpu.memory_space<vmem>>, vector<512x1xf32>
    tpu.vector_store %arg5[%swap3A, %swap3A_21], %add3A_20 {strides = array<i32>} : memref<512x1xf32, #tpu.memory_space<vmem>>, vector<512x1xf32>,
    return
  }
  func.func @transform_0(%arg0: i32) -> (i32, i32, i32) {
    %c0_i32 = arith.constant 0 : i32
    %c0_i32_0 = arith.constant 0 : i32
    %c0_i32_1 = arith.constant 0 : i32
    return %c0_i32, %arg0, %c0_i32_0 : i32, i32, i32
  }
  func.func @transform_1(%arg0: i32) -> (i32, i32) {
    %c0_i32 = arith.constant 0 : i32
    %c0_i32_0 = arith.constant 0 : i32
    return %arg0, %c0_i32 : i32, i32
  }
  func.func @transform_2(%arg0: i32) -> (i32, i32) {
    %c0_i32 = arith.constant 0 : i32
    %c0_i32_0 = arith.constant 0 : i32
    return %arg0, %c0_i32 : i32, i32
  }
  func.func @transform_3(%arg0: i32) -> (i32, i32) {
    %c0_i32 = arith.constant 0 : i32
    %c0_i32_0 = arith.constant 0 : i32
    %c0_i32_1 = arith.constant 0 : i32
    return %c0_i32, %c0_i32_0 : i32, i32
  }
  func.func @transform_4(%arg0: i32) -> (i32, i32) {
    %c0_i32 = arith.constant 0 : i32
    %c0_i32_0 = arith.constant 0 : i32
    return %arg0, %c0_i32 : i32, i32
  }
}

</mosaic_0001>

<sc_bundles>
// kernel: kernel.12.cloned.1.call-start
scs
__scs_entry_jumppad:
0x0: {  	(pc) =	sbr.rel $0x88, $3  }
0x1: {  	(tag) =	ssettag $0x0;
	lr =	simm.s32 $0x1  }
0x2: {  	[smem:$0x3F96] =	sst lr;
	_ =	strace $0xD0000000  }
0x3: {  	_ = 	snop  }
0x4: {  	_ = 	snop  }
0x5: {  	_ = 	snop  }
0x6: {  	_ = 	snop  }
0x7: {  	_ = 	snop  }
__scs_overlays_trampoline_lowered:
0x8: {  	[smem:$0x3FA5] =	sst s0  }
0x9: {  	[smem:$0x3FA6] =	sst s1  }
0xa: {  	[smem:$0x3FA7] =	sst s2  }
0xb: {  	[smem:$0x3FA8] =	sst s3  }
0xc: {  	[smem:$0x3FA9] =	sst s4  }
0xd: {  	[smem:$0x3FAA] =	sst s5  }
0xe: {  	[smem:$0x3FAB] =	sst s6  }
0xf: {  	[smem:$0x3FAC] =	sst s7  }
0x10: {  	[smem:$0x3FAD] =	sst s8  }
0x11: {  	[smem:$0x3FAE] =	sst s9;
	s0 =	simm.s32 @!p0 $0x0  }
0x12: {  	s1 =	sld [smem:$0x3F94];
	s0 =	simm.s32 @p0 $0x1  }
0x13: {  	[smem:$0x3FAF] =	sst s0;
	s0 =	simm.s32 @!p1 $0x0  }
0x14: {  	s2 =	sld [smem:$0x3F93];
	s0 =	simm.s32 @p1 $0x1  }
0x15: {  	[smem:$0x3FB0] =	sst s0;
	s0 =	simm.s32 @!p2 $0x0  }
0x16: {  	s3 =	sld [smem:$0x3FDB];
	s0 =	simm.s32 @p2 $0x1  }
0x17: {  	s4 =	simm.s32 $0x1BF5;
	[smem:$0x3FB2] =	sst s0  }
0x18: {  	s0 =	sld [smem:$0x3F95];
	_ =	swait.ge [sflag:s4], $0x0  }
0x19: {  	s7 =	sld [smem:$0x3F96]  }
0x1a: {  	s8 =	sadd.s32 $0xFFFFE003, lr  }
0x1b: {  	s9 =	sadd.s32 $0xFFFFFEF7, lr;
	s5 =	simm.s32 $0xFFFFFFFF;
	p2 =	slt.u32 s8, $0xFFFFF086  }
0x1c: {  	p1 =	slt.u32 s9, $0xF7A;
	s5 =	simm.s32 @!p2 $0x0  }
0x1d: {  	s5 =	simm.s32 @p1 $0x1;
	p0 =	seq.s32 s7, s2  }
0x1e: {  	s7 =	smul.u32 @!p0 $0xF7A, s2;
	p2 =	seq.s32 @!p0 s5, $0x0  }
0x1f: {  	s9 =	smul.u32 $0xF7A, s1;
	s8 =	simm.s32 @!p0 $0x1BF5;
	p2 =	por !p2, p0  }
0x20: {  	[sflag:s8] =	ssyncset.s32 @!p0 $0xFFFFF086;
	s6 =	sadd.s32 @!p0 s3, s7;
	s7 =	simm.s32 @!p0 $0x108  }
0x21: {  	s3 =	sadd.s32 s3, s9;
	s6 =	sadd.s32 @!p0 $0x88, s6;
	s7 =	simm.s32 @p2 $0x1082  }
0x22: {  	[simem:s7], [sflag:s8] =	dma.local @!p0 [hbm:s6], $0xF7A  }
0x23: {  	s9 =	sor.u32 $0xD0000000, s2;
	s6 =	simm.s32 $0x108;
	_ =	swait.ge @!p0 [sflag:s8], $0x0  }
0x24: {  	s3 =	sadd.s32 $0x88, s3;
	s6 =	simm.s32 @!p1 $0x1082;
	[sflag:s4] =	ssyncset.s32 $0xFFFFF086  }
0x25: {  	[simem:s6], [sflag:s4] =	dma.local [hbm:s3], $0xF7A  }
0x26: {  	[smem:$0x3F96] =	sst s1;
	(tag) =	ssettag s2;
	_ =	strace s9  }
0x27: {  	s1 =	sld [smem:$0x3FA6]  }
0x28: {  	s2 =	sld [smem:$0x3FA7]  }
0x29: {  	s4 =	sld [smem:$0x3FA9]  }
0x2a: {  	p0 =	seq.s32 s5, $0x0;
	s5 =	sld [smem:$0x3FAA]  }
0x2b: {  	s6 =	sld [smem:$0x3FAB]  }
0x2c: {  	s7 =	sld [smem:$0x3FAC]  }
0x2d: {  	s3 =	simm.s32 $0x108;
	s8 =	sld [smem:$0x3FAD]  }
0x2e: {  	s3 =	simm.s32 @!p0 $0x1082;
	s9 =	sld [smem:$0x3FAE]  }
0x2f: {  	lr =	sadd.s32 s0, s3;
	s0 =	sld [smem:$0x3FA5]  }
0x30: {  	s3 =	sld [smem:$0x3FA8]  }
0x31: {  	[smem:$0x3FB1] =	sst s10  }
0x32: {  	s10 =	sld [smem:$0x3FAF];
	_ =	sdelay $0x3  }
0x33: {  	p0 =	seq.s32 s10, $0x1;
	s10 =	sld [smem:$0x3FB1];
	_ =	sdelay $0x3  }
0x34: {  	[smem:$0x3FB1] =	sst s10  }
0x35: {  	s10 =	sld [smem:$0x3FB0];
	_ =	sdelay $0x3  }
0x36: {  	p1 =	seq.s32 s10, $0x1;
	s10 =	sld [smem:$0x3FB1];
	_ =	sdelay $0x3  }
0x37: {  	[smem:$0x3FB1] =	sst s10  }
0x38: {  	s10 =	sld [smem:$0x3FB2]  }
0x39: {  	_ = 	snop;
	(pc) =	sbr.ind lr, $3  }
0x3a: {  	_ = 	snop  }
0x3b: {  	_ = 	snop  }
0x3c: {  	p2 =	seq.s32 s10, $0x1;
	s10 =	sld [smem:$0x3FB1]  }
0x3d: {  	_ =	shalt  }
0x3e: {  	_ =	shalt  }
0x3f: {  	_ =	shalt  }
0x40: {  	_ =	shalt  }
0x41: {  	_ =	shalt  }
0x42: {  	_ =	shalt  }
0x43: {  	_ =	shalt  }
0x44: {  	_ =	shalt  }
0x45: {  	_ =	shalt  }
0x46: {  	_ =	shalt  }
0x47: {  	_ =	shalt  }
0x48: {  	_ =	shalt  }
0x49: {  	_ =	shalt  }
0x4a: {  	_ =	shalt  }
0x4b: {  	_ =	shalt  }
0x4c: {  	_ =	shalt  }
0x4d: {  	_ =	shalt  }
0x4e: {  	_ =	shalt  }
0x4f: {  	_ =	shalt  }
0x50: {  	_ =	shalt  }
0x51: {  	_ =	shalt  }
0x52: {  	_ =	shalt  }
0x53: {  	_ =	shalt  }
0x54: {  	_ =	shalt  }
0x55: {  	_ =	shalt  }
0x56: {  	_ =	shalt  }
0x57: {  	_ =	shalt  }
0x58: {  	_ =	shalt  }
0x59: {  	_ =	shalt  }
0x5a: {  	_ =	shalt  }
0x5b: {  	_ =	shalt  }
0x5c: {  	_ =	shalt  }
0x5d: {  	_ =	shalt  }
0x5e: {  	_ =	shalt  }
0x5f: {  	_ =	shalt  }
0x60: {  	_ =	shalt  }
0x61: {  	_ =	shalt  }
0x62: {  	_ =	shalt  }
0x63: {  	_ =	shalt  }
0x64: {  	_ =	shalt  }
0x65: {  	_ =	shalt  }
0x66: {  	_ =	shalt  }
0x67: {  	_ =	shalt  }
0x68: {  	_ =	shalt  }
0x69: {  	_ =	shalt  }
0x6a: {  	_ =	shalt  }
0x6b: {  	_ =	shalt  }
0x6c: {  	_ =	shalt  }
0x6d: {  	_ =	shalt  }
0x6e: {  	_ =	shalt  }
0x6f: {  	_ =	shalt  }
0x70: {  	_ =	shalt  }
0x71: {  	_ =	shalt  }
0x72: {  	_ =	shalt  }
0x73: {  	_ =	shalt  }
0x74: {  	_ =	shalt  }
0x75: {  	_ =	shalt  }
0x76: {  	_ =	shalt  }
0x77: {  	_ =	shalt  }
0x78: {  	_ =	shalt  }
0x79: {  	_ =	shalt  }
0x7a: {  	_ =	shalt  }
0x7b: {  	_ =	shalt  }
0x7c: {  	_ =	shalt  }
0x7d: {  	_ =	shalt  }
0x7e: {  	_ =	shalt  }
0x7f: {  	_ =	shalt  }
0x80: {  	_ =	shalt  }
0x81: {  	_ =	shalt  }
0x82: {  	_ =	shalt  }
0x83: {  	_ =	shalt  }
0x84: {  	_ =	shalt  }
0x85: {  	_ =	shalt  }
0x86: {  	_ =	shalt  }
0x87: {  	_ =	shalt  }
.Lfunc_end0:
.L_simem_size_0:
called_computation_lowered:
.L_overlay_start_0:
0x88: {  	s2 =	sld [smem:$0x3FD9]  }
0x89: {  	s3 =	sld [smem:$0x3FFE];
	_ =	sdelay $0x1  }
0x8a: {  	s1 =	srdreg.scid  }
0x8b: {  	s0 =	sand.u32 $0x1, s1  }
0x8c: {  	s17 =	sshll.u32 s0, $0xA;
	s2 =	sadd.s32 s3, s2  }
0x8d: {  	s2 =	sadd.s32 s2, s17  }
0x8e: {  	[smem:$0x3FBD] =	sst s2  }
0x8f: {  	_ = 	snop  }
0x90: {  	s2 =	sld [smem:$0x3FD0];
	(tm) =	ssettm $0x1  }
0x91: {  	s18 =	sld [smem:$0x3FFB];
	_ =	sdelay $0x3  }
0x92: {  	_ =	strace s18  }
0x93: {  	s3 =	sld [smem:$0x3FFC];
	_ =	sdelay $0x3  }
0x94: {  	_ =	strace s3  }
0x95: {  	s3 =	sld [smem:$0x3FFD];
	_ =	sdelay $0x3  }
0x96: {  	_ =	strace s3  }
0x97: {  	_ =	strace $0x8FFFFFFF  }
0x98: {  	s19 =	sld [smem:$0x3FDB];
	_ =	sdelay $0x1  }
0x99: {  	s4 =	simm.s32 $_scs_section_size  }
0x9a: {  	s5 =	simm.s32 $_size__tile_overlayer_lowered;
	s6 =	simm.s32 $_tile_overlayer_lowered  }
0x9b: {  	s22 =	simm.s32 $0x1BFF;
	s21 =	sshll.u32 s6, $0x1;
	s3 =	sadd.s32 s4, s19  }
0x9c: {  	s7 =	simm.s32 $0x0;
	s20 =	sshll.u32 s5, $0x1;
	s5 =	sadd.s32 s21, s3  }
0x9d: {  	[timem:s7], [sflag:s22] =	dma.local [hbm:s5], s20  }
0x9e: {  	_ =	swait.ge [sflag:s22], s20  }
0x9f: {  	s4 =	ssub.s32 $0x0, s20;
	[sflag:s22] =	ssyncset.done $0x0  }
0xa0: {  	[sflag:s22] =	ssyncadd.s32 s4;
	_ =	sdelay $0x1  }
0xa1: {  	s23 =	simm.s32 $0x1B8B  }
0xa2: {  	_ =	swait.ge [sflag:s23], $0x1  }
0xa3: {  	[sflag:s23] =	ssyncset.done $0x0  }
0xa4: {  	s25 =	simm.s32 $0x1B8E;
	s24 =	sld [smem:$0x3FFE];
	[sflag:s23] =	ssyncadd.s32 $0xFFFFFFFF  }
0xa5: {  	s26 =	simm.s32 $execute0_lowered;
	[smem:$0x3FD2] =	sst s25  }
0xa6: {  	s5 =	sshll.u32 s26, $0x1;
	_ =	strace $0x80000046;
	[dreg:$0x1] =	wrdreg $0xFFFFFFFF  }
0xa7: {  	s28 =	simm.s32 $_size_execute0_lowered;
	s3 =	sadd.s32 s3, s5;
	[dreg:$0x0] =	wrdreg $0x0  }
0xa8: {  	s5 =	sshll.u32 s28, $0x1;
	[dreg:$0x2] =	wrdreg s3  }
0xa9: {  	[dreg:$0x3] =	wrdreg s5  }
0xaa: {  	[dreg:$0x4] =	wrdreg $0xC0  }
0xab: {  	_ =	task [dreg:s7], $0x5FFFF  }
0xac: {  	[dreg:$0x1] =	wrdreg $0xFFFFFFFF  }
0xad: {  	[dreg:$0x0] =	wrdreg $0x60  }
0xae: {  	[dreg:$0x2] =	wrdreg s24  }
0xaf: {  	[dreg:$0x3] =	wrdreg s2  }
0xb0: {  	[dreg:$0x4] =	wrdreg $0x78800  }
0xb1: {  	[dreg:$0x5] =	wrdreg $0x7B000  }
0xb2: {  	[dreg:$0x6] =	wrdreg $0x9  }
0xb3: {  	_ =	task.clear_ibuf [dreg:s7], $0x7FFFF;
	_ =	strace $0x90000046  }
0xb4: {  	s29 =	simm.s32 $0x9;
	_ =	strace $0x80000048  }
0xb5: {  	_ =	swait.ge [sflag:s29], $0x1  }
0xb6: {  	[sflag:s29] =	ssyncadd.s32 $0xFFFFFFFF  }
0xb7: {  	_ =	strace $0x90000048  }
0xb8: {  	_ =	sfence  }
0xb9: {  	s30 =	sld [smem:$0x0];
	_ =	sdelay $0x2  }
0xba: {  	s31 =	sshll.u32 s1, $0xD;
	s1 =	sshrl.u32 s1, $0x2  }
0xbb: {  	s3 =	sand.u32 $0x4000, s31;
	s1 =	sadd.s32 s1, s30  }
0xbc: {  	s0 =	sor.u32 s3, s0;
	s1 =	sshll.u32 s1, $0x11  }
0xbd: {  	s0 =	sor.u32 s1, s0  }
0xbe: {  	s0 =	sadd.s32 $0x8F2B, s0  }
0xbf: {  	[sflag:s0] =	ssyncadd.remote.s32 $0x1  }
0xc0: {  	_ =	sfence.sel $0xFFFF  }
0xc1: {  	[dreg:$0x0] =	wrdreg $0xFFFFFFFF;
	(pc) =	sbr.abs _section_cstart, $3  }
0xc2: {  	[dreg:$0x1] =	wrdreg $0xFFFFFFFF  }
0xc3: {  	_ =	task.clear_ibuf [dreg:s7], $0x2FFFF;
	_ =	strace $0x9FFFFFFF  }
0xc4: {  	(tm) =	ssettm $0x7FFFFFFF  }
0xc5: {  	_ =	shalt  }
tec
execute0_lowered:
.L_overlay_start_1:
0x0: {  	(tag) =	ssettag $0x1  }
0x1: {  	s5 =	rddreg [dreg:$0x0]  }
0x2: {  	s9 =	rddreg [dreg:$0x1]  }
0x3: {  	s2 =	rddreg [dreg:$0x2]  }
0x4: {  	s0 =	srdreg.scid;
	s3 =	rddreg [dreg:$0x3]  }
0x5: {  	s4 =	simm.s32 $0x0;
	s17 =	simm.s32 $0x5000;
	s18 =	simm.s32 $0x80  }
0x6: {  	s19 =	simm.s32 $0x7800;
	s6 =	sand.u32 $0x1, s0;
	s0 =	stileid.u32  }
0x7: {  	s20 =	simm.s32 $0x0;
	[smem:$0x7FF] =	sst s4;
	s7 =	smul.u32 $0x280, s0  }
0x8: {  	s1 =	sshll.u32 s6, $0x4;
	s8 =	smul.u32 $0x2800, s6;
	s6 =	ssub.s32 $0x2, s6  }
0x9: {  	s31 =	sshll.u32 s0, $0x6;
	s1 =	sor.u32 s0, s1;
	s13 =	sshrl.u32 s6, $0x1  }
0xa: {  	s10 =	smul.u32 $0x500, s1;
	s1 =	rddreg [dreg:$0x4];
	_ =	strace $0x80000047  }
0xb: {  	s12 =	sshrl.u32 s7, $0x3;
	s8 =	sadd.s32 s7, s8;
	s13 =	ssub.s32 s6, s13  }
0xc: {  	s15 =	sadd.s32 s7, s2;
	s6 =	sor.u32 $0x1C01, s31;
	s16 =	sadd.s32 s7, s3  }
0xd: {  	s12 =	sadd.s32 s12, s5;
	s8 =	sshrl.u32 s8, $0x3;
	s11 =	sadd.s32 s10, s5  }
0xe: {  	s14 =	sadd.s32 s8, s5;
	s5 =	sadd.s32 $0x18C00, s12;
	s9 =	sadd.s32 s9, s10  }
0xf: {  	s12 =	smax.u32 s13, $0x1;
	s13 =	sshrl.u32 s15, $0x3;
	s15 =	sshrl.u32 s16, $0x3  }
0x10: {  	s16 =	simm.s32 $0x2800;
	s7 =	sadd.s32 $0x4C00, s11;
	s8 =	sadd.s32 $0xEC00, s11  }
0x11: {  	v0 =	vimm.f32 $1.000000000e+00;
	s10 =	sadd.s32 $0x19200, s14;
	s11 =	sadd.s32 $0x19C00, s14;
	s14 =	simm.s32 $0x1  }
.LBB2_1:
0x12: {  	[spmem:s13], [sflag:s6] =	dma.local [hbm:s5], $0x50  }
0x13: {  	_ =	swait.ge [sflag:s14], $0x50  }
0x14: {  	[sflag:s14] =	ssyncset.done $0x0  }
0x15: {  	[sflag:s14] =	ssyncadd.s32 $0xFFFFFFB0  }
0x16: {  	[spmem:s15], [sflag:s6] =	dma.local [hbm:s5], $0x50  }
0x17: {  	_ =	swait.ge [sflag:s14], $0x50  }
0x18: {  	[sflag:s14] =	ssyncset.done $0x0  }
0x19: {  	[sflag:s14] =	ssyncadd.s32 $0xFFFFFFB0  }
0x1a: {  	[tilespmem:s4], [sflag:$0x1] =	stream.linear.gather [hbm4b:s7+s4], $0x2800, $0x38;
	[tilespmem:$0x7D80] =	vst v63  }
0x1b: {  	_ =	swait.ge [sflag:s14], $0x2800  }
0x1c: {  	[sflag:s14] =	ssyncset.done $0x0  }
0x1d: {  	[sflag:s14] =	ssyncadd.s32 $0xFFFFD800  }
0x1e: {  	[tilespmem:s16], [sflag:$0x1] =	stream.linear.gather [hbm4b:s8+s4], $0x2800, $0x38;
	[tilespmem:$0x7D80] =	vst v63  }
0x1f: {  	_ =	swait.ge [sflag:s14], $0x2800  }
0x20: {  	[sflag:s14] =	ssyncset.done $0x0  }
0x21: {  	[sflag:s14] =	ssyncadd.s32 $0xFFFFD800  }
0x22: {  	[tilespmem:s17], [sflag:$0x1] =	stream.linear.gather [hbm4b:s9+s4], $0x2800, $0x38;
	[tilespmem:$0x7D80] =	vst v63  }
0x23: {  	_ =	swait.ge [sflag:s14], $0x2800  }
0x24: {  	[sflag:s14] =	ssyncset.done $0x0  }
0x25: {  	[sflag:s14] =	ssyncadd.s32 $0xFFFFD800  }
0x26: {  	[tilespmem:$0x7800] =	vst v0  }
0x27: {  	[tilespmem:$0x7810] =	vst v0  }
0x28: {  	[tilespmem:$0x7820] =	vst v0  }
0x29: {  	[tilespmem:$0x7830] =	vst v0  }
0x2a: {  	[tilespmem:$0x7840] =	vst v0  }
0x2b: {  	[tilespmem:$0x7850] =	vst v0  }
0x2c: {  	[tilespmem:$0x7860] =	vst v0  }
0x2d: {  	[tilespmem:$0x7870] =	vst v0  }
0x2e: {  	s21 =	simm.s32 $0x2800;
	[bflag:$0x0] =	sbarrier.arrive $0xFFFF  }
0x2f: {  	[spmem:s2] =	stream.indirect.scatter.add.f32 [tilespmem:s19], [sflag:$0x1], $0x1, s21, s18, $0xb8;
	[tilespmem:$0x7D80] =	vst v63  }
0x30: {  	_ =	swait.ge [sflag:s14], $0x80  }
0x31: {  	[sflag:s14] =	ssyncset.done $0x0  }
0x32: {  	s31 =	simm.s32 $0x0;
	s22 =	simm.s32 $0x5000;
	[sflag:s14] =	ssyncadd.s32 $0xFFFFFF80  }
0x33: {  	[spmem:s3] =	stream.indirect.scatter.add.f32 [tilespmem:s22], [sflag:$0x1], $0x1, s31, s18, $0xb8;
	[tilespmem:$0x7D80] =	vst v63  }
0x34: {  	_ =	swait.ge [sflag:s14], $0x80  }
0x35: {  	s21 =	simm.s32 $0x80;
	s22 =	simm.s32 $0x400;
	[sflag:s14] =	ssyncset.done $0x0  }
.LBB2_2:
0x36: {  	s23 =	sadd.s32 $0x2800, s21  }
0x37: {  	[sflag:s14] =	ssyncadd.s32 $0xFFFFFF80;
	s24 =	smov.u32 s22;
	s25 =	sadd.s32 $0x200, s22  }
0x38: {  	[spmem:s2] =	stream.indirect.scatter.add.f32 [tilespmem:s19], [sflag:$0x1], $0x1, s23, s18, $0xb8;
	[tilespmem:$0x7D80] =	vst v63  }
0x39: {  	p0 =	sne.s32 s22, $0x9E00;
	_ =	swait.ge [sflag:s14], $0x80  }
.Ltmp0:
0x3a: {  	[sflag:s14] =	ssyncset.done $0x0;
	(pc) =	sbr.rel @p0 .LBB2_2-.Ltmp0, $4  }
0x3b: {  	s22 =	sadd.s32 $0x5000, s21;
	[sflag:s14] =	ssyncadd.s32 $0xFFFFFF80  }
0x3c: {  	[spmem:s3] =	stream.indirect.scatter.add.f32 [tilespmem:s22], [sflag:$0x1], $0x1, s21, s18, $0xb8;
	[tilespmem:$0x7D80] =	vst v63  }
0x3d: {  	_ =	swait.ge [sflag:s14], $0x80  }
0x3e: {  	s21 =	sshra.s32 s24, $0x2;
	s22 =	smov.u32 s25;
	[sflag:s14] =	ssyncset.done $0x0  }
0x3f: {  	s22 =	sadd.s32 $0x2800, s21;
	[sflag:s14] =	ssyncadd.s32 $0xFFFFFF80  }
0x40: {  	[spmem:s2] =	stream.indirect.scatter.add.f32 [tilespmem:s19], [sflag:$0x1], $0x1, s22, s18, $0xb8;
	[tilespmem:$0x7D80] =	vst v63  }
0x41: {  	_ =	swait.ge [sflag:s14], $0x80  }
0x42: {  	[sflag:s14] =	ssyncset.done $0x0  }
0x43: {  	s31 =	sadd.s32 $0x5000, s21;
	[sflag:s14] =	ssyncadd.s32 $0xFFFFFF80  }
0x44: {  	[spmem:s3] =	stream.indirect.scatter.add.f32 [tilespmem:s31], [sflag:$0x1], $0x1, s21, s18, $0xb8;
	[tilespmem:$0x7D80] =	vst v63  }
0x45: {  	_ =	swait.ge [sflag:s14], $0x80  }
0x46: {  	[sflag:s14] =	ssyncset.done $0x0  }
0x47: {  	[sflag:s14] =	ssyncadd.s32 $0xFFFFFF80  }
0x48: {  	[bflag:$0x0] =	sbarrier.arrive $0xFFFF  }
0x49: {  	[hbm:s10], [sflag:s6] =	dma.local [spmem:s13], $0x50  }
0x4a: {  	s20 =	sadd.s32 $0x1, s20;
	_ =	swait.ge [sflag:s14], $0x50  }
0x4b: {  	p0 =	sne.s32 s20, s12;
	[sflag:s14] =	ssyncset.done $0x0  }
.Ltmp1:
0x4c: {  	[sflag:s14] =	ssyncadd.s32 $0xFFFFFFB0;
	(pc) =	sbr.rel @p0 .LBB2_1-.Ltmp1, $4  }
0x4d: {  	[hbm:s11], [sflag:s6] =	dma.local [spmem:s15], $0x50  }
0x4e: {  	_ =	swait.ge [sflag:s14], $0x50  }
0x4f: {  	[sflag:s14] =	ssyncset.done $0x0  }
0x50: {  	[sflag:s14] =	ssyncadd.s32 $0xFFFFFFB0  }
0x51: {  	_ =	sfence.sel $0x180000  }
0x52: {  	[bflag:$0x0] =	sbarrier.arrive $0xFFFF  }
0x53: {  	p0 =	sne.s32 s0, $0x0;
	_ =	strace $0x90000047  }
0x54: {  	s0 =	sadd.s32 @!p0 $0x100000, s1;
	[bflag:$0x2] =	sbarrier.arrive $0xFFFF  }
0x55: {  	[sflag:s0] =	ssyncadd.tile.s32 @!p0 $0x1;
	_ =	shalt  }
.Lfunc_end2:
_tile_overlayer_lowered:
.L_overlay_start_2:
0x56: {  	(tag) =	ssettag $0x2  }
0x57: {  	s0 =	rddreg [dreg:$0x0];
	s2 =	stileid.u32  }
0x58: {  	s1 =	rddreg [dreg:$0x1];
	p0 =	sne.s32 s2, $0x0  }
0x59: {  	s3 =	rddreg [dreg:$0x2];
	[bflag:$0x3] =	sbarrier.arrive $0xFFFF;
	s2 =	simm.s32 @!p0 $0x1C01  }
0x5a: {  	[timem:s3], [sflag:s2] =	dma.local @!p0 [hbm:s0], s1  }
0x5b: {  	s0 =	simm.s32 @!p0 $0x1  }
0x5c: {  	_ =	swait.ge @!p0 [sflag:s0], s1  }
0x5d: {  	s1 =	ssub.s32 @!p0 $0x0, s1;
	[sflag:s0] =	ssyncset.done @!p0 $0x0  }
0x5e: {  	[sflag:s0] =	ssyncadd.s32 @!p0 s1  }
0x5f: {  	[bflag:$0x3] =	sbarrier.arrive $0xFFFF  }
0x60: {  	_ =	shalt  }

// kernel: kernel.15.cloned.1.call-start
scs
__scs_entry_jumppad:
0x0: {  	(pc) =	sbr.rel $0x88, $3  }
0x1: {  	(tag) =	ssettag $0x0;
	lr =	simm.s32 $0x1  }
0x2: {  	[smem:$0x3F96] =	sst lr;
	_ =	strace $0xD0000000  }
0x3: {  	_ = 	snop  }
0x4: {  	_ = 	snop  }
0x5: {  	_ = 	snop  }
0x6: {  	_ = 	snop  }
0x7: {  	_ = 	snop  }
__scs_overlays_trampoline_lowered:
0x8: {  	[smem:$0x3FA5] =	sst s0  }
0x9: {  	[smem:$0x3FA6] =	sst s1  }
0xa: {  	[smem:$0x3FA7] =	sst s2  }
0xb: {  	[smem:$0x3FA8] =	sst s3  }
0xc: {  	[smem:$0x3FA9] =	sst s4  }
0xd: {  	[smem:$0x3FAA] =	sst s5  }
0xe: {  	[smem:$0x3FAB] =	sst s6  }
0xf: {  	[smem:$0x3FAC] =	sst s7  }
0x10: {  	[smem:$0x3FAD] =	sst s8  }
0x11: {  	[smem:$0x3FAE] =	sst s9;
	s0 =	simm.s32 @!p0 $0x0  }
0x12: {  	s1 =	sld [smem:$0x3F94];
	s0 =	simm.s32 @p0 $0x1  }
0x13: {  	[smem:$0x3FAF] =	sst s0;
	s0 =	simm.s32 @!p1 $0x0  }
0x14: {  	s2 =	sld [smem:$0x3F93];
	s0 =	simm.s32 @p1 $0x1  }
0x15: {  	[smem:$0x3FB0] =	sst s0;
	s0 =	simm.s32 @!p2 $0x0  }
0x16: {  	s3 =	sld [smem:$0x3FDB];
	s0 =	simm.s32 @p2 $0x1  }
0x17: {  	s4 =	simm.s32 $0x1BF5;
	[smem:$0x3FB2] =	sst s0  }
0x18: {  	s0 =	sld [smem:$0x3F95];
	_ =	swait.ge [sflag:s4], $0x0  }
0x19: {  	s7 =	sld [smem:$0x3F96]  }
0x1a: {  	s8 =	sadd.s32 $0xFFFFE003, lr  }
0x1b: {  	s9 =	sadd.s32 $0xFFFFFEF7, lr;
	s5 =	simm.s32 $0xFFFFFFFF;
	p2 =	slt.u32 s8, $0xFFFFF086  }
0x1c: {  	p1 =	slt.u32 s9, $0xF7A;
	s5 =	simm.s32 @!p2 $0x0  }
0x1d: {  	s5 =	simm.s32 @p1 $0x1;
	p0 =	seq.s32 s7, s2  }
0x1e: {  	s7 =	smul.u32 @!p0 $0xF7A, s2;
	p2 =	seq.s32 @!p0 s5, $0x0  }
0x1f: {  	s9 =	smul.u32 $0xF7A, s1;
	s8 =	simm.s32 @!p0 $0x1BF5;
	p2 =	por !p2, p0  }
0x20: {  	[sflag:s8] =	ssyncset.s32 @!p0 $0xFFFFF086;
	s6 =	sadd.s32 @!p0 s3, s7;
	s7 =	simm.s32 @!p0 $0x108  }
0x21: {  	s3 =	sadd.s32 s3, s9;
	s6 =	sadd.s32 @!p0 $0x88, s6;
	s7 =	simm.s32 @p2 $0x1082  }
0x22: {  	[simem:s7], [sflag:s8] =	dma.local @!p0 [hbm:s6], $0xF7A  }
0x23: {  	s9 =	sor.u32 $0xD0000000, s2;
	s6 =	simm.s32 $0x108;
	_ =	swait.ge @!p0 [sflag:s8], $0x0  }
0x24: {  	s3 =	sadd.s32 $0x88, s3;
	s6 =	simm.s32 @!p1 $0x1082;
	[sflag:s4] =	ssyncset.s32 $0xFFFFF086  }
0x25: {  	[simem:s6], [sflag:s4] =	dma.local [hbm:s3], $0xF7A  }
0x26: {  	[smem:$0x3F96] =	sst s1;
	(tag) =	ssettag s2;
	_ =	strace s9  }
0x27: {  	s1 =	sld [smem:$0x3FA6]  }
0x28: {  	s2 =	sld [smem:$0x3FA7]  }
0x29: {  	s4 =	sld [smem:$0x3FA9]  }
0x2a: {  	p0 =	seq.s32 s5, $0x0;
	s5 =	sld [smem:$0x3FAA]  }
0x2b: {  	s6 =	sld [smem:$0x3FAB]  }
0x2c: {  	s7 =	sld [smem:$0x3FAC]  }
0x2d: {  	s3 =	simm.s32 $0x108;
	s8 =	sld [smem:$0x3FAD]  }
0x2e: {  	s3 =	simm.s32 @!p0 $0x1082;
	s9 =	sld [smem:$0x3FAE]  }
0x2f: {  	lr =	sadd.s32 s0, s3;
	s0 =	sld [smem:$0x3FA5]  }
0x30: {  	s3 =	sld [smem:$0x3FA8]  }
0x31: {  	[smem:$0x3FB1] =	sst s10  }
0x32: {  	s10 =	sld [smem:$0x3FAF];
	_ =	sdelay $0x3  }
0x33: {  	p0 =	seq.s32 s10, $0x1;
	s10 =	sld [smem:$0x3FB1];
	_ =	sdelay $0x3  }
0x34: {  	[smem:$0x3FB1] =	sst s10  }
0x35: {  	s10 =	sld [smem:$0x3FB0];
	_ =	sdelay $0x3  }
0x36: {  	p1 =	seq.s32 s10, $0x1;
	s10 =	sld [smem:$0x3FB1];
	_ =	sdelay $0x3  }
0x37: {  	[smem:$0x3FB1] =	sst s10  }
0x38: {  	s10 =	sld [smem:$0x3FB2]  }
0x39: {  	_ = 	snop;
	(pc) =	sbr.ind lr, $3  }
0x3a: {  	_ = 	snop  }
0x3b: {  	_ = 	snop  }
0x3c: {  	p2 =	seq.s32 s10, $0x1;
	s10 =	sld [smem:$0x3FB1]  }
0x3d: {  	_ =	shalt  }
0x3e: {  	_ =	shalt  }
0x3f: {  	_ =	shalt  }
0x40: {  	_ =	shalt  }
0x41: {  	_ =	shalt  }
0x42: {  	_ =	shalt  }
0x43: {  	_ =	shalt  }
0x44: {  	_ =	shalt  }
0x45: {  	_ =	shalt  }
0x46: {  	_ =	shalt  }
0x47: {  	_ =	shalt  }
0x48: {  	_ =	shalt  }
0x49: {  	_ =	shalt  }
0x4a: {  	_ =	shalt  }
0x4b: {  	_ =	shalt  }
0x4c: {  	_ =	shalt  }
0x4d: {  	_ =	shalt  }
0x4e: {  	_ =	shalt  }
0x4f: {  	_ =	shalt  }
0x50: {  	_ =	shalt  }
0x51: {  	_ =	shalt  }
0x52: {  	_ =	shalt  }
0x53: {  	_ =	shalt  }
0x54: {  	_ =	shalt  }
0x55: {  	_ =	shalt  }
0x56: {  	_ =	shalt  }
0x57: {  	_ =	shalt  }
0x58: {  	_ =	shalt  }
0x59: {  	_ =	shalt  }
0x5a: {  	_ =	shalt  }
0x5b: {  	_ =	shalt  }
0x5c: {  	_ =	shalt  }
0x5d: {  	_ =	shalt  }
0x5e: {  	_ =	shalt  }
0x5f: {  	_ =	shalt  }
0x60: {  	_ =	shalt  }
0x61: {  	_ =	shalt  }
0x62: {  	_ =	shalt  }
0x63: {  	_ =	shalt  }
0x64: {  	_ =	shalt  }
0x65: {  	_ =	shalt  }
0x66: {  	_ =	shalt  }
0x67: {  	_ =	shalt  }
0x68: {  	_ =	shalt  }
0x69: {  	_ =	shalt  }
0x6a: {  	_ =	shalt  }
0x6b: {  	_ =	shalt  }
0x6c: {  	_ =	shalt  }
0x6d: {  	_ =	shalt  }
0x6e: {  	_ =	shalt  }
0x6f: {  	_ =	shalt  }
0x70: {  	_ =	shalt  }
0x71: {  	_ =	shalt  }
0x72: {  	_ =	shalt  }
0x73: {  	_ =	shalt  }
0x74: {  	_ =	shalt  }
0x75: {  	_ =	shalt  }
0x76: {  	_ =	shalt  }
0x77: {  	_ =	shalt  }
0x78: {  	_ =	shalt  }
0x79: {  	_ =	shalt  }
0x7a: {  	_ =	shalt  }
0x7b: {  	_ =	shalt  }
0x7c: {  	_ =	shalt  }
0x7d: {  	_ =	shalt  }
0x7e: {  	_ =	shalt  }
0x7f: {  	_ =	shalt  }
0x80: {  	_ =	shalt  }
0x81: {  	_ =	shalt  }
0x82: {  	_ =	shalt  }
0x83: {  	_ =	shalt  }
0x84: {  	_ =	shalt  }
0x85: {  	_ =	shalt  }
0x86: {  	_ =	shalt  }
0x87: {  	_ =	shalt  }
.Lfunc_end0:
.L_simem_size_0:
called_computation.1_lowered:
.L_overlay_start_0:
0x88: {  	s2 =	sld [smem:$0x3FD9]  }
0x89: {  	s3 =	sld [smem:$0x3FFE];
	_ =	sdelay $0x1  }
0x8a: {  	s1 =	srdreg.scid  }
0x8b: {  	s0 =	sand.u32 $0x1, s1  }
0x8c: {  	s16 =	sshll.u32 s0, $0xA;
	s2 =	sadd.s32 s3, s2  }
0x8d: {  	s2 =	sadd.s32 s2, s16  }
0x8e: {  	[smem:$0x3FBD] =	sst s2  }
0x8f: {  	_ = 	snop  }
0x90: {  	(tm) =	ssettm $0x1  }
0x91: {  	s17 =	sld [smem:$0x3FFB];
	_ =	sdelay $0x3  }
0x92: {  	_ =	strace s17  }
0x93: {  	s2 =	sld [smem:$0x3FFC];
	_ =	sdelay $0x3  }
0x94: {  	_ =	strace s2  }
0x95: {  	s2 =	sld [smem:$0x3FFD];
	_ =	sdelay $0x3  }
0x96: {  	_ =	strace s2  }
0x97: {  	_ =	strace $0x8FFFFFFF  }
0x98: {  	s18 =	sld [smem:$0x3FDB];
	_ =	sdelay $0x1  }
0x99: {  	s19 =	simm.s32 $_scs_section_size  }
0x9a: {  	s4 =	simm.s32 $_size__tile_overlayer_lowered;
	s5 =	simm.s32 $_tile_overlayer_lowered  }
0x9b: {  	s22 =	simm.s32 $0x1BFF;
	s21 =	sshll.u32 s5, $0x1;
	s2 =	sadd.s32 s19, s18  }
0x9c: {  	s6 =	simm.s32 $0x0;
	s20 =	sshll.u32 s4, $0x1;
	s4 =	sadd.s32 s21, s2  }
0x9d: {  	[timem:s6], [sflag:s22] =	dma.local [hbm:s4], s20  }
0x9e: {  	_ =	swait.ge [sflag:s22], s20  }
0x9f: {  	s3 =	ssub.s32 $0x0, s20;
	[sflag:s22] =	ssyncset.done $0x0  }
0xa0: {  	[sflag:s22] =	ssyncadd.s32 s3;
	_ =	sdelay $0x1  }
0xa1: {  	s23 =	simm.s32 $0x1B8B  }
0xa2: {  	_ =	swait.ge [sflag:s23], $0x1  }
0xa3: {  	[sflag:s23] =	ssyncset.done $0x0  }
0xa4: {  	s25 =	simm.s32 $0x1B8E;
	s24 =	sld [smem:$0x3FFE];
	[sflag:s23] =	ssyncadd.s32 $0xFFFFFFFF  }
0xa5: {  	s26 =	simm.s32 $execute0_lowered;
	[smem:$0x3FD2] =	sst s25  }
0xa6: {  	s4 =	sshll.u32 s26, $0x1;
	_ =	strace $0x80000049;
	[dreg:$0x1] =	wrdreg $0xFFFFFFFF  }
0xa7: {  	s28 =	simm.s32 $_size_execute0_lowered;
	s2 =	sadd.s32 s2, s4;
	[dreg:$0x0] =	wrdreg $0x0  }
0xa8: {  	s4 =	sshll.u32 s28, $0x1;
	[dreg:$0x2] =	wrdreg s2  }
0xa9: {  	[dreg:$0x3] =	wrdreg s4  }
0xaa: {  	[dreg:$0x4] =	wrdreg $0xC0  }
0xab: {  	_ =	task [dreg:s6], $0x5FFFF  }
0xac: {  	[dreg:$0x1] =	wrdreg $0xFFFFFFFF  }
0xad: {  	[dreg:$0x0] =	wrdreg $0x60  }
0xae: {  	[dreg:$0x2] =	wrdreg s24  }
0xaf: {  	[dreg:$0x3] =	wrdreg $0x60000  }
0xb0: {  	[dreg:$0x4] =	wrdreg $0x9  }
0xb1: {  	_ =	task.clear_ibuf [dreg:s6], $0x5FFFF;
	_ =	strace $0x90000049  }
0xb2: {  	s29 =	simm.s32 $0x9;
	_ =	strace $0x8000004B  }
0xb3: {  	_ =	swait.ge [sflag:s29], $0x1  }
0xb4: {  	[sflag:s29] =	ssyncadd.s32 $0xFFFFFFFF  }
0xb5: {  	_ =	strace $0x9000004B  }
0xb6: {  	_ =	sfence  }
0xb7: {  	s30 =	sld [smem:$0x0];
	_ =	sdelay $0x2  }
0xb8: {  	s31 =	sshll.u32 s1, $0xD;
	s1 =	sshrl.u32 s1, $0x2  }
0xb9: {  	s3 =	sand.u32 $0x4000, s31;
	s1 =	sadd.s32 s1, s30  }
0xba: {  	s0 =	sor.u32 s3, s0;
	s1 =	sshll.u32 s1, $0x11  }
0xbb: {  	s0 =	sor.u32 s1, s0  }
0xbc: {  	s0 =	sadd.s32 $0x8F2B, s0  }
0xbd: {  	[sflag:s0] =	ssyncadd.remote.s32 $0x1  }
0xbe: {  	_ =	sfence.sel $0xFFFF  }
0xbf: {  	[dreg:$0x0] =	wrdreg $0xFFFFFFFF;
	(pc) =	sbr.abs _section_cstart, $3  }
0xc0: {  	[dreg:$0x1] =	wrdreg $0xFFFFFFFF  }
0xc1: {  	_ =	task.clear_ibuf [dreg:s6], $0x2FFFF;
	_ =	strace $0x9FFFFFFF  }
0xc2: {  	(tm) =	ssettm $0x7FFFFFFF  }
0xc3: {  	_ =	shalt  }
tec
execute0_lowered:
.L_overlay_start_1:
0x0: {  	(tag) =	ssettag $0x1  }
0x1: {  	s6 =	rddreg [dreg:$0x0]  }
0x2: {  	s0 =	srdreg.scid;
	s2 =	rddreg [dreg:$0x1]  }
0x3: {  	s3 =	simm.s32 $0x0;
	s14 =	simm.s32 $0x80;
	s15 =	simm.s32 $0x5000  }
0x4: {  	s16 =	simm.s32 $0x1;
	s5 =	sand.u32 $0x1, s0;
	s0 =	stileid.u32  }
0x5: {  	s17 =	simm.s32 $0x0;
	[smem:$0x7FF] =	sst s3;
	s7 =	smul.u32 $0x5000, s0  }
0x6: {  	s1 =	sshll.u32 s5, $0x4;
	s8 =	smul.u32 $0x50000, s5;
	s5 =	ssub.s32 $0x2, s5  }
0x7: {  	s31 =	sshll.u32 s0, $0x6;
	s1 =	sor.u32 s0, s1;
	s11 =	sshrl.u32 s5, $0x1  }
0x8: {  	s4 =	smul.u32 $0x500, s1;
	s1 =	rddreg [dreg:$0x2];
	_ =	strace $0x8000004A  }
0x9: {  	s8 =	sadd.s32 s7, s8;
	s10 =	sshrl.u32 s7, $0x3;
	s11 =	ssub.s32 s5, s11  }
0xa: {  	s13 =	sadd.s32 s7, s2;
	s8 =	sshrl.u32 s8, $0x3;
	s10 =	sadd.s32 s10, s6  }
0xb: {  	s9 =	sadd.s32 s4, s6;
	s4 =	sadd.s32 $0x19200, s6;
	s12 =	sadd.s32 s8, s6  }
0xc: {  	s5 =	sadd.s32 $0x23200, s10;
	s6 =	sor.u32 $0x1C02, s31;
	s10 =	smax.u32 s11, $0x1  }
0xd: {  	s11 =	sshrl.u32 s13, $0x3;
	s13 =	simm.s32 $0x2800;
	s7 =	sadd.s32 $0x4C00, s9  }
0xe: {  	s8 =	sadd.s32 $0xEC00, s9;
	s9 =	sadd.s32 $0x2D200, s12;
	s12 =	simm.s32 $0x2  }
.LBB2_1:
0xf: {  	[spmem:s11], [sflag:s6] =	dma.local [hbm:s5], $0xA00  }
0x10: {  	_ =	swait.ge [sflag:s12], $0xA00  }
0x11: {  	[sflag:s12] =	ssyncset.done $0x0  }
0x12: {  	[sflag:s12] =	ssyncadd.s32 $0xFFFFF600  }
0x13: {  	[tilespmem:s3], [sflag:$0x2] =	stream.linear.gather [hbm4b:s7+s3], $0x2800, $0x38;
	[tilespmem:$0xB000] =	vst v63  }
0x14: {  	_ =	swait.ge [sflag:s12], $0x2800  }
0x15: {  	[sflag:s12] =	ssyncset.done $0x0  }
0x16: {  	[sflag:s12] =	ssyncadd.s32 $0xFFFFD800  }
0x17: {  	[tilespmem:s13], [sflag:$0x2] =	stream.linear.gather [hbm4b:s8+s3], $0x2800, $0x38;
	[tilespmem:$0xB000] =	vst v63  }
0x18: {  	_ =	swait.ge [sflag:s12], $0x2800  }
0x19: {  	[sflag:s12] =	ssyncset.done $0x0  }
0x1a: {  	[sflag:s12] =	ssyncadd.s32 $0xFFFFD800  }
0x1b: {  	s18 =	simm.s32 $0x0;
	[bflag:$0x0] =	sbarrier.arrive $0xFFFF  }
0x1c: {  	[tilespmem:s15], [sflag:$0x1] =	stream.indirect.gather [hbm4b:s4+s14], $0x20, s18, s14, $0xb8;
	[tilespmem:$0xB000] =	vst v63  }
0x1d: {  	_ =	swait.ge [sflag:s16], $0x1000  }
0x1e: {  	[sflag:s16] =	ssyncset.done $0x0  }
0x1f: {  	s31 =	simm.s32 $0x2800;
	[sflag:s16] =	ssyncadd.s32 $0xFFFFF000  }
0x20: {  	[spmem:s2] =	stream.indirect.scatter.add.f32 [tilespmem:s15], [sflag:$0x2], $0x20, s31, s14, $0xb8;
	[tilespmem:$0xB000] =	vst v63  }
0x21: {  	_ =	swait.ge [sflag:s12], $0x1000  }
0x22: {  	s19 =	simm.s32 $0x400;
	s18 =	simm.s32 $0x200;
	[sflag:s12] =	ssyncset.done $0x0  }
.LBB2_2:
0x23: {  	s20 =	sshra.s32 s18, $0x2  }
0x24: {  	[sflag:s12] =	ssyncadd.s32 $0xFFFFF000;
	s18 =	smov.u32 s19;
	s21 =	sadd.s32 $0x200, s19  }
0x25: {  	[tilespmem:s15], [sflag:$0x1] =	stream.indirect.gather [hbm4b:s4+s14], $0x20, s20, s14, $0xb8;
	[tilespmem:$0xB000] =	vst v63  }
0x26: {  	p0 =	sne.s32 s19, $0x9E00;
	_ =	swait.ge [sflag:s16], $0x1000  }
.Ltmp0:
0x27: {  	[sflag:s16] =	ssyncset.done $0x0;
	(pc) =	sbr.rel @p0 .LBB2_2-.Ltmp0, $4  }
0x28: {  	s19 =	sadd.s32 $0x2800, s20;
	[sflag:s16] =	ssyncadd.s32 $0xFFFFF000  }
0x29: {  	[spmem:s2] =	stream.indirect.scatter.add.f32 [tilespmem:s15], [sflag:$0x2], $0x20, s19, s14, $0xb8;
	[tilespmem:$0xB000] =	vst v63  }
0x2a: {  	_ =	swait.ge [sflag:s12], $0x1000  }
0x2b: {  	s19 =	smov.u32 s21;
	[sflag:s12] =	ssyncset.done $0x0  }
0x2c: {  	s18 =	sshra.s32 s18, $0x2;
	[sflag:s12] =	ssyncadd.s32 $0xFFFFF000  }
0x2d: {  	[tilespmem:s15], [sflag:$0x1] =	stream.indirect.gather [hbm4b:s4+s14], $0x20, s18, s14, $0xb8;
	[tilespmem:$0xB000] =	vst v63  }
0x2e: {  	_ =	swait.ge [sflag:s16], $0x1000  }
0x2f: {  	[sflag:s16] =	ssyncset.done $0x0  }
0x30: {  	s18 =	sadd.s32 $0x2800, s18;
	[sflag:s16] =	ssyncadd.s32 $0xFFFFF000  }
0x31: {  	[spmem:s2] =	stream.indirect.scatter.add.f32 [tilespmem:s15], [sflag:$0x2], $0x20, s18, s14, $0xb8;
	[tilespmem:$0xB000] =	vst v63  }
0x32: {  	_ =	swait.ge [sflag:s12], $0x1000  }
0x33: {  	s17 =	sadd.s32 $0x1, s17;
	[sflag:s12] =	ssyncset.done $0x0  }
0x34: {  	p0 =	sne.s32 s17, s10;
	[sflag:s12] =	ssyncadd.s32 $0xFFFFF000  }
.Ltmp1:
0x35: {  	[bflag:$0x0] =	sbarrier.arrive $0xFFFF;
	(pc) =	sbr.rel @p0 .LBB2_1-.Ltmp1, $4  }
0x36: {  	[hbm:s9], [sflag:s6] =	dma.local [spmem:s11], $0xA00  }
0x37: {  	_ =	swait.ge [sflag:s12], $0xA00  }
0x38: {  	[sflag:s12] =	ssyncset.done $0x0  }
0x39: {  	[sflag:s12] =	ssyncadd.s32 $0xFFFFF600  }
0x3a: {  	_ =	sfence.sel $0x180000  }
0x3b: {  	[bflag:$0x0] =	sbarrier.arrive $0xFFFF  }
0x3c: {  	p0 =	sne.s32 s0, $0x0;
	_ =	strace $0x9000004A  }
0x3d: {  	s0 =	sadd.s32 @!p0 $0x100000, s1;
	[bflag:$0x2] =	sbarrier.arrive $0xFFFF  }
0x3e: {  	[sflag:s0] =	ssyncadd.tile.s32 @!p0 $0x1;
	_ =	shalt  }
.Lfunc_end2:
_tile_overlayer_lowered:
.L_overlay_start_2:
0x3f: {  	(tag) =	ssettag $0x2  }
0x40: {  	s0 =	rddreg [dreg:$0x0];
	s2 =	stileid.u32  }
0x41: {  	s1 =	rddreg [dreg:$0x1];
	p0 =	sne.s32 s2, $0x0  }
0x42: {  	s3 =	rddreg [dreg:$0x2];
	[bflag:$0x3] =	sbarrier.arrive $0xFFFF;
	s2 =	simm.s32 @!p0 $0x1C02  }
0x43: {  	[timem:s3], [sflag:s2] =	dma.local @!p0 [hbm:s0], s1  }
0x44: {  	s0 =	simm.s32 @!p0 $0x2  }
0x45: {  	_ =	swait.ge @!p0 [sflag:s0], s1  }
0x46: {  	s1 =	ssub.s32 @!p0 $0x0, s1;
	[sflag:s0] =	ssyncset.done @!p0 $0x0  }
0x47: {  	[sflag:s0] =	ssyncadd.s32 @!p0 s1  }
0x48: {  	[bflag:$0x3] =	sbarrier.arrive $0xFFFF  }
0x49: {  	_ =	shalt  }

// kernel: kernel.18.cloned.1.call-start
scs
__scs_entry_jumppad:
0x0: {  	(pc) =	sbr.rel $0x88, $3  }
0x1: {  	(tag) =	ssettag $0x0;
	lr =	simm.s32 $0x1  }
0x2: {  	[smem:$0x3F96] =	sst lr;
	_ =	strace $0xD0000000  }
0x3: {  	_ = 	snop  }
0x4: {  	_ = 	snop  }
0x5: {  	_ = 	snop  }
0x6: {  	_ = 	snop  }
0x7: {  	_ = 	snop  }
__scs_overlays_trampoline_lowered:
0x8: {  	[smem:$0x3FA5] =	sst s0  }
0x9: {  	[smem:$0x3FA6] =	sst s1  }
0xa: {  	[smem:$0x3FA7] =	sst s2  }
0xb: {  	[smem:$0x3FA8] =	sst s3  }
0xc: {  	[smem:$0x3FA9] =	sst s4  }
0xd: {  	[smem:$0x3FAA] =	sst s5  }
0xe: {  	[smem:$0x3FAB] =	sst s6  }
0xf: {  	[smem:$0x3FAC] =	sst s7  }
0x10: {  	[smem:$0x3FAD] =	sst s8  }
0x11: {  	[smem:$0x3FAE] =	sst s9;
	s0 =	simm.s32 @!p0 $0x0  }
0x12: {  	s1 =	sld [smem:$0x3F94];
	s0 =	simm.s32 @p0 $0x1  }
0x13: {  	[smem:$0x3FAF] =	sst s0;
	s0 =	simm.s32 @!p1 $0x0  }
0x14: {  	s2 =	sld [smem:$0x3F93];
	s0 =	simm.s32 @p1 $0x1  }
0x15: {  	[smem:$0x3FB0] =	sst s0;
	s0 =	simm.s32 @!p2 $0x0  }
0x16: {  	s3 =	sld [smem:$0x3FDB];
	s0 =	simm.s32 @p2 $0x1  }
0x17: {  	s4 =	simm.s32 $0x1BF5;
	[smem:$0x3FB2] =	sst s0  }
0x18: {  	s0 =	sld [smem:$0x3F95];
	_ =	swait.ge [sflag:s4], $0x0  }
0x19: {  	s7 =	sld [smem:$0x3F96]  }
0x1a: {  	s8 =	sadd.s32 $0xFFFFE003, lr  }
0x1b: {  	s9 =	sadd.s32 $0xFFFFFEF7, lr;
	s5 =	simm.s32 $0xFFFFFFFF;
	p2 =	slt.u32 s8, $0xFFFFF086  }
0x1c: {  	p1 =	slt.u32 s9, $0xF7A;
	s5 =	simm.s32 @!p2 $0x0  }
0x1d: {  	s5 =	simm.s32 @p1 $0x1;
	p0 =	seq.s32 s7, s2  }
0x1e: {  	s7 =	smul.u32 @!p0 $0xF7A, s2;
	p2 =	seq.s32 @!p0 s5, $0x0  }
0x1f: {  	s9 =	smul.u32 $0xF7A, s1;
	s8 =	simm.s32 @!p0 $0x1BF5;
	p2 =	por !p2, p0  }
0x20: {  	[sflag:s8] =	ssyncset.s32 @!p0 $0xFFFFF086;
	s6 =	sadd.s32 @!p0 s3, s7;
	s7 =	simm.s32 @!p0 $0x108  }
0x21: {  	s3 =	sadd.s32 s3, s9;
	s6 =	sadd.s32 @!p0 $0x88, s6;
	s7 =	simm.s32 @p2 $0x1082  }
0x22: {  	[simem:s7], [sflag:s8] =	dma.local @!p0 [hbm:s6], $0xF7A  }
0x23: {  	s9 =	sor.u32 $0xD0000000, s2;
	s6 =	simm.s32 $0x108;
	_ =	swait.ge @!p0 [sflag:s8], $0x0  }
0x24: {  	s3 =	sadd.s32 $0x88, s3;
	s6 =	simm.s32 @!p1 $0x1082;
	[sflag:s4] =	ssyncset.s32 $0xFFFFF086  }
0x25: {  	[simem:s6], [sflag:s4] =	dma.local [hbm:s3], $0xF7A  }
0x26: {  	[smem:$0x3F96] =	sst s1;
	(tag) =	ssettag s2;
	_ =	strace s9  }
0x27: {  	s1 =	sld [smem:$0x3FA6]  }
0x28: {  	s2 =	sld [smem:$0x3FA7]  }
0x29: {  	s4 =	sld [smem:$0x3FA9]  }
0x2a: {  	p0 =	seq.s32 s5, $0x0;
	s5 =	sld [smem:$0x3FAA]  }
0x2b: {  	s6 =	sld [smem:$0x3FAB]  }
0x2c: {  	s7 =	sld [smem:$0x3FAC]  }
0x2d: {  	s3 =	simm.s32 $0x108;
	s8 =	sld [smem:$0x3FAD]  }
0x2e: {  	s3 =	simm.s32 @!p0 $0x1082;
	s9 =	sld [smem:$0x3FAE]  }
0x2f: {  	lr =	sadd.s32 s0, s3;
	s0 =	sld [smem:$0x3FA5]  }
0x30: {  	s3 =	sld [smem:$0x3FA8]  }
0x31: {  	[smem:$0x3FB1] =	sst s10  }
0x32: {  	s10 =	sld [smem:$0x3FAF];
	_ =	sdelay $0x3  }
0x33: {  	p0 =	seq.s32 s10, $0x1;
	s10 =	sld [smem:$0x3FB1];
	_ =	sdelay $0x3  }
0x34: {  	[smem:$0x3FB1] =	sst s10  }
0x35: {  	s10 =	sld [smem:$0x3FB0];
	_ =	sdelay $0x3  }
0x36: {  	p1 =	seq.s32 s10, $0x1;
	s10 =	sld [smem:$0x3FB1];
	_ =	sdelay $0x3  }
0x37: {  	[smem:$0x3FB1] =	sst s10  }
0x38: {  	s10 =	sld [smem:$0x3FB2]  }
0x39: {  	_ = 	snop;
	(pc) =	sbr.ind lr, $3  }
0x3a: {  	_ = 	snop  }
0x3b: {  	_ = 	snop  }
0x3c: {  	p2 =	seq.s32 s10, $0x1;
	s10 =	sld [smem:$0x3FB1]  }
0x3d: {  	_ =	shalt  }
0x3e: {  	_ =	shalt  }
0x3f: {  	_ =	shalt  }
0x40: {  	_ =	shalt  }
0x41: {  	_ =	shalt  }
0x42: {  	_ =	shalt  }
0x43: {  	_ =	shalt  }
0x44: {  	_ =	shalt  }
0x45: {  	_ =	shalt  }
0x46: {  	_ =	shalt  }
0x47: {  	_ =	shalt  }
0x48: {  	_ =	shalt  }
0x49: {  	_ =	shalt  }
0x4a: {  	_ =	shalt  }
0x4b: {  	_ =	shalt  }
0x4c: {  	_ =	shalt  }
0x4d: {  	_ =	shalt  }
0x4e: {  	_ =	shalt  }
0x4f: {  	_ =	shalt  }
0x50: {  	_ =	shalt  }
0x51: {  	_ =	shalt  }
0x52: {  	_ =	shalt  }
0x53: {  	_ =	shalt  }
0x54: {  	_ =	shalt  }
0x55: {  	_ =	shalt  }
0x56: {  	_ =	shalt  }
0x57: {  	_ =	shalt  }
0x58: {  	_ =	shalt  }
0x59: {  	_ =	shalt  }
0x5a: {  	_ =	shalt  }
0x5b: {  	_ =	shalt  }
0x5c: {  	_ =	shalt  }
0x5d: {  	_ =	shalt  }
0x5e: {  	_ =	shalt  }
0x5f: {  	_ =	shalt  }
0x60: {  	_ =	shalt  }
0x61: {  	_ =	shalt  }
0x62: {  	_ =	shalt  }
0x63: {  	_ =	shalt  }
0x64: {  	_ =	shalt  }
0x65: {  	_ =	shalt  }
0x66: {  	_ =	shalt  }
0x67: {  	_ =	shalt  }
0x68: {  	_ =	shalt  }
0x69: {  	_ =	shalt  }
0x6a: {  	_ =	shalt  }
0x6b: {  	_ =	shalt  }
0x6c: {  	_ =	shalt  }
0x6d: {  	_ =	shalt  }
0x6e: {  	_ =	shalt  }
0x6f: {  	_ =	shalt  }
0x70: {  	_ =	shalt  }
0x71: {  	_ =	shalt  }
0x72: {  	_ =	shalt  }
0x73: {  	_ =	shalt  }
0x74: {  	_ =	shalt  }
0x75: {  	_ =	shalt  }
0x76: {  	_ =	shalt  }
0x77: {  	_ =	shalt  }
0x78: {  	_ =	shalt  }
0x79: {  	_ =	shalt  }
0x7a: {  	_ =	shalt  }
0x7b: {  	_ =	shalt  }
0x7c: {  	_ =	shalt  }
0x7d: {  	_ =	shalt  }
0x7e: {  	_ =	shalt  }
0x7f: {  	_ =	shalt  }
0x80: {  	_ =	shalt  }
0x81: {  	_ =	shalt  }
0x82: {  	_ =	shalt  }
0x83: {  	_ =	shalt  }
0x84: {  	_ =	shalt  }
0x85: {  	_ =	shalt  }
0x86: {  	_ =	shalt  }
0x87: {  	_ =	shalt  }
.Lfunc_end0:
.L_simem_size_0:
called_computation.2_lowered:
.L_overlay_start_0:
0x88: {  	s2 =	sld [smem:$0x3FD9]  }
0x89: {  	s3 =	sld [smem:$0x3FFE];
	_ =	sdelay $0x1  }
0x8a: {  	s1 =	srdreg.scid  }
0x8b: {  	s0 =	sand.u32 $0x1, s1  }
0x8c: {  	s16 =	sshll.u32 s0, $0xA;
	s2 =	sadd.s32 s3, s2  }
0x8d: {  	s2 =	sadd.s32 s2, s16  }
0x8e: {  	[smem:$0x3FBD] =	sst s2  }
0x8f: {  	_ = 	snop  }
0x90: {  	(tm) =	ssettm $0x1  }
0x91: {  	s17 =	sld [smem:$0x3FFB];
	_ =	sdelay $0x3  }
0x92: {  	_ =	strace s17  }
0x93: {  	s2 =	sld [smem:$0x3FFC];
	_ =	sdelay $0x3  }
0x94: {  	_ =	strace s2  }
0x95: {  	s2 =	sld [smem:$0x3FFD];
	_ =	sdelay $0x3  }
0x96: {  	_ =	strace s2  }
0x97: {  	_ =	strace $0x8FFFFFFF  }
0x98: {  	s18 =	sld [smem:$0x3FDB];
	_ =	sdelay $0x1  }
0x99: {  	s19 =	simm.s32 $_scs_section_size  }
0x9a: {  	s4 =	simm.s32 $_size__tile_overlayer_lowered;
	s5 =	simm.s32 $_tile_overlayer_lowered  }
0x9b: {  	s22 =	simm.s32 $0x1BFF;
	s21 =	sshll.u32 s5, $0x1;
	s2 =	sadd.s32 s19, s18  }
0x9c: {  	s6 =	simm.s32 $0x0;
	s20 =	sshll.u32 s4, $0x1;
	s4 =	sadd.s32 s21, s2  }
0x9d: {  	[timem:s6], [sflag:s22] =	dma.local [hbm:s4], s20  }
0x9e: {  	_ =	swait.ge [sflag:s22], s20  }
0x9f: {  	s3 =	ssub.s32 $0x0, s20;
	[sflag:s22] =	ssyncset.done $0x0  }
0xa0: {  	[sflag:s22] =	ssyncadd.s32 s3;
	_ =	sdelay $0x1  }
0xa1: {  	s23 =	simm.s32 $0x1B8B  }
0xa2: {  	_ =	swait.ge [sflag:s23], $0x1  }
0xa3: {  	[sflag:s23] =	ssyncset.done $0x0  }
0xa4: {  	s25 =	simm.s32 $0x1B8E;
	s24 =	sld [smem:$0x3FFE];
	[sflag:s23] =	ssyncadd.s32 $0xFFFFFFFF  }
0xa5: {  	s26 =	simm.s32 $execute0_lowered;
	[smem:$0x3FD2] =	sst s25  }
0xa6: {  	s4 =	sshll.u32 s26, $0x1;
	_ =	strace $0x8000004C;
	[dreg:$0x1] =	wrdreg $0xFFFFFFFF  }
0xa7: {  	s28 =	simm.s32 $_size_execute0_lowered;
	s2 =	sadd.s32 s2, s4;
	[dreg:$0x0] =	wrdreg $0x0  }
0xa8: {  	s4 =	sshll.u32 s28, $0x1;
	[dreg:$0x2] =	wrdreg s2  }
0xa9: {  	[dreg:$0x3] =	wrdreg s4  }
0xaa: {  	[dreg:$0x4] =	wrdreg $0xC0  }
0xab: {  	_ =	task [dreg:s6], $0x5FFFF  }
0xac: {  	[dreg:$0x1] =	wrdreg $0xFFFFFFFF  }
0xad: {  	[dreg:$0x0] =	wrdreg $0x60  }
0xae: {  	[dreg:$0x2] =	wrdreg s24  }
0xaf: {  	[dreg:$0x3] =	wrdreg $0x60000  }
0xb0: {  	[dreg:$0x4] =	wrdreg $0x9  }
0xb1: {  	_ =	task.clear_ibuf [dreg:s6], $0x5FFFF;
	_ =	strace $0x9000004C  }
0xb2: {  	s29 =	simm.s32 $0x9;
	_ =	strace $0x8000004E  }
0xb3: {  	_ =	swait.ge [sflag:s29], $0x1  }
0xb4: {  	[sflag:s29] =	ssyncadd.s32 $0xFFFFFFFF  }
0xb5: {  	_ =	strace $0x9000004E  }
0xb6: {  	_ =	sfence  }
0xb7: {  	s30 =	sld [smem:$0x0];
	_ =	sdelay $0x2  }
0xb8: {  	s31 =	sshll.u32 s1, $0xD;
	s1 =	sshrl.u32 s1, $0x2  }
0xb9: {  	s3 =	sand.u32 $0x4000, s31;
	s1 =	sadd.s32 s1, s30  }
0xba: {  	s0 =	sor.u32 s3, s0;
	s1 =	sshll.u32 s1, $0x11  }
0xbb: {  	s0 =	sor.u32 s1, s0  }
0xbc: {  	s0 =	sadd.s32 $0x8F2B, s0  }
0xbd: {  	[sflag:s0] =	ssyncadd.remote.s32 $0x1  }
0xbe: {  	_ =	sfence.sel $0xFFFF  }
0xbf: {  	[dreg:$0x0] =	wrdreg $0xFFFFFFFF;
	(pc) =	sbr.abs _section_cstart, $3  }
0xc0: {  	[dreg:$0x1] =	wrdreg $0xFFFFFFFF  }
0xc1: {  	_ =	task.clear_ibuf [dreg:s6], $0x2FFFF;
	_ =	strace $0x9FFFFFFF  }
0xc2: {  	(tm) =	ssettm $0x7FFFFFFF  }
0xc3: {  	_ =	shalt  }
tec
execute0_lowered:
.L_overlay_start_1:
0x0: {  	(tag) =	ssettag $0x1  }
0x1: {  	s6 =	rddreg [dreg:$0x0]  }
0x2: {  	s0 =	srdreg.scid;
	s2 =	rddreg [dreg:$0x1]  }
0x3: {  	s3 =	simm.s32 $0x0;
	s14 =	simm.s32 $0x80;
	s15 =	simm.s32 $0x5000  }
0x4: {  	s16 =	simm.s32 $0x1;
	s5 =	sand.u32 $0x1, s0;
	s0 =	stileid.u32  }
0x5: {  	s17 =	simm.s32 $0x0;
	[smem:$0x7FF] =	sst s3;
	s7 =	smul.u32 $0x5000, s0  }
0x6: {  	s1 =	sshll.u32 s5, $0x4;
	s8 =	smul.u32 $0x50000, s5;
	s5 =	ssub.s32 $0x2, s5  }
0x7: {  	s31 =	sshll.u32 s0, $0x6;
	s1 =	sor.u32 s0, s1;
	s11 =	sshrl.u32 s5, $0x1  }
0x8: {  	s4 =	smul.u32 $0x500, s1;
	s1 =	rddreg [dreg:$0x2];
	_ =	strace $0x8000004D  }
0x9: {  	s8 =	sadd.s32 s7, s8;
	s10 =	sshrl.u32 s7, $0x3;
	s11 =	ssub.s32 s5, s11  }
0xa: {  	s13 =	sadd.s32 s7, s2;
	s8 =	sshrl.u32 s8, $0x3;
	s10 =	sadd.s32 s10, s6  }
0xb: {  	s9 =	sadd.s32 s4, s6;
	s4 =	sadd.s32 $0x19200, s6;
	s12 =	sadd.s32 s8, s6  }
0xc: {  	s5 =	sadd.s32 $0x23200, s10;
	s6 =	sor.u32 $0x1C02, s31;
	s10 =	smax.u32 s11, $0x1  }
0xd: {  	s11 =	sshrl.u32 s13, $0x3;
	s13 =	simm.s32 $0x2800;
	s7 =	sadd.s32 $0x4C00, s9  }
0xe: {  	s8 =	sadd.s32 $0xEC00, s9;
	s9 =	sadd.s32 $0x55200, s12;
	s12 =	simm.s32 $0x2  }
.LBB2_1:
0xf: {  	[spmem:s11], [sflag:s6] =	dma.local [hbm:s5], $0xA00  }
0x10: {  	_ =	swait.ge [sflag:s12], $0xA00  }
0x11: {  	[sflag:s12] =	ssyncset.done $0x0  }
0x12: {  	[sflag:s12] =	ssyncadd.s32 $0xFFFFF600  }
0x13: {  	[tilespmem:s3], [sflag:$0x2] =	stream.linear.gather [hbm4b:s7+s3], $0x2800, $0x38;
	[tilespmem:$0xB000] =	vst v63  }
0x14: {  	_ =	swait.ge [sflag:s12], $0x2800  }
0x15: {  	[sflag:s12] =	ssyncset.done $0x0  }
0x16: {  	[sflag:s12] =	ssyncadd.s32 $0xFFFFD800  }
0x17: {  	[tilespmem:s13], [sflag:$0x2] =	stream.linear.gather [hbm4b:s8+s3], $0x2800, $0x38;
	[tilespmem:$0xB000] =	vst v63  }
0x18: {  	_ =	swait.ge [sflag:s12], $0x2800  }
0x19: {  	[sflag:s12] =	ssyncset.done $0x0  }
0x1a: {  	[sflag:s12] =	ssyncadd.s32 $0xFFFFD800  }
0x1b: {  	s18 =	simm.s32 $0x0;
	[bflag:$0x0] =	sbarrier.arrive $0xFFFF  }
0x1c: {  	[tilespmem:s15], [sflag:$0x1] =	stream.indirect.gather [hbm4b:s4+s14], $0x20, s18, s14, $0xb8;
	[tilespmem:$0xB000] =	vst v63  }
0x1d: {  	_ =	swait.ge [sflag:s16], $0x1000  }
0x1e: {  	[sflag:s16] =	ssyncset.done $0x0  }
0x1f: {  	s31 =	simm.s32 $0x2800;
	[sflag:s16] =	ssyncadd.s32 $0xFFFFF000  }
0x20: {  	[spmem:s2] =	stream.indirect.scatter.add.f32 [tilespmem:s15], [sflag:$0x2], $0x20, s31, s14, $0xb8;
	[tilespmem:$0xB000] =	vst v63  }
0x21: {  	_ =	swait.ge [sflag:s12], $0x1000  }
0x22: {  	s19 =	simm.s32 $0x400;
	s18 =	simm.s32 $0x200;
	[sflag:s12] =	ssyncset.done $0x0  }
.LBB2_2:
0x23: {  	s20 =	sshra.s32 s18, $0x2  }
0x24: {  	[sflag:s12] =	ssyncadd.s32 $0xFFFFF000;
	s18 =	smov.u32 s19;
	s21 =	sadd.s32 $0x200, s19  }
0x25: {  	[tilespmem:s15], [sflag:$0x1] =	stream.indirect.gather [hbm4b:s4+s14], $0x20, s20, s14, $0xb8;
	[tilespmem:$0xB000] =	vst v63  }
0x26: {  	p0 =	sne.s32 s19, $0x9E00;
	_ =	swait.ge [sflag:s16], $0x1000  }
.Ltmp0:
0x27: {  	[sflag:s16] =	ssyncset.done $0x0;
	(pc) =	sbr.rel @p0 .LBB2_2-.Ltmp0, $4  }
0x28: {  	s19 =	sadd.s32 $0x2800, s20;
	[sflag:s16] =	ssyncadd.s32 $0xFFFFF000  }
0x29: {  	[spmem:s2] =	stream.indirect.scatter.add.f32 [tilespmem:s15], [sflag:$0x2], $0x20, s19, s14, $0xb8;
	[tilespmem:$0xB000] =	vst v63  }
0x2a: {  	_ =	swait.ge [sflag:s12], $0x1000  }
0x2b: {  	s19 =	smov.u32 s21;
	[sflag:s12] =	ssyncset.done $0x0  }
0x2c: {  	s18 =	sshra.s32 s18, $0x2;
	[sflag:s12] =	ssyncadd.s32 $0xFFFFF000  }
0x2d: {  	[tilespmem:s15], [sflag:$0x1] =	stream.indirect.gather [hbm4b:s4+s14], $0x20, s18, s14, $0xb8;
	[tilespmem:$0xB000] =	vst v63  }
0x2e: {  	_ =	swait.ge [sflag:s16], $0x1000  }
0x2f: {  	[sflag:s16] =	ssyncset.done $0x0  }
0x30: {  	s18 =	sadd.s32 $0x2800, s18;
	[sflag:s16] =	ssyncadd.s32 $0xFFFFF000  }
0x31: {  	[spmem:s2] =	stream.indirect.scatter.add.f32 [tilespmem:s15], [sflag:$0x2], $0x20, s18, s14, $0xb8;
	[tilespmem:$0xB000] =	vst v63  }
0x32: {  	_ =	swait.ge [sflag:s12], $0x1000  }
0x33: {  	s17 =	sadd.s32 $0x1, s17;
	[sflag:s12] =	ssyncset.done $0x0  }
0x34: {  	p0 =	sne.s32 s17, s10;
	[sflag:s12] =	ssyncadd.s32 $0xFFFFF000  }
.Ltmp1:
0x35: {  	[bflag:$0x0] =	sbarrier.arrive $0xFFFF;
	(pc) =	sbr.rel @p0 .LBB2_1-.Ltmp1, $4  }
0x36: {  	[hbm:s9], [sflag:s6] =	dma.local [spmem:s11], $0xA00  }
0x37: {  	_ =	swait.ge [sflag:s12], $0xA00  }
0x38: {  	[sflag:s12] =	ssyncset.done $0x0  }
0x39: {  	[sflag:s12] =	ssyncadd.s32 $0xFFFFF600  }
0x3a: {  	_ =	sfence.sel $0x180000  }
0x3b: {  	[bflag:$0x0] =	sbarrier.arrive $0xFFFF  }
0x3c: {  	p0 =	sne.s32 s0, $0x0;
	_ =	strace $0x9000004D  }
0x3d: {  	s0 =	sadd.s32 @!p0 $0x100000, s1;
	[bflag:$0x2] =	sbarrier.arrive $0xFFFF  }
0x3e: {  	[sflag:s0] =	ssyncadd.tile.s32 @!p0 $0x1;
	_ =	shalt  }
.Lfunc_end2:
_tile_overlayer_lowered:
.L_overlay_start_2:
0x3f: {  	(tag) =	ssettag $0x2  }
0x40: {  	s0 =	rddreg [dreg:$0x0];
	s2 =	stileid.u32  }
0x41: {  	s1 =	rddreg [dreg:$0x1];
	p0 =	sne.s32 s2, $0x0  }
0x42: {  	s3 =	rddreg [dreg:$0x2];
	[bflag:$0x3] =	sbarrier.arrive $0xFFFF;
	s2 =	simm.s32 @!p0 $0x1C02  }
0x43: {  	[timem:s3], [sflag:s2] =	dma.local @!p0 [hbm:s0], s1  }
0x44: {  	s0 =	simm.s32 @!p0 $0x2  }
0x45: {  	_ =	swait.ge @!p0 [sflag:s0], s1  }
0x46: {  	s1 =	ssub.s32 @!p0 $0x0, s1;
	[sflag:s0] =	ssyncset.done @!p0 $0x0  }
0x47: {  	[sflag:s0] =	ssyncadd.s32 @!p0 s1  }
0x48: {  	[bflag:$0x3] =	sbarrier.arrive $0xFFFF  }
0x49: {  	_ =	shalt  }

// kernel: kernel.21.cloned.1.call-start
scs
__scs_entry_jumppad:
0x0: {  	(pc) =	sbr.rel $0x88, $3  }
0x1: {  	(tag) =	ssettag $0x0;
	lr =	simm.s32 $0x1  }
0x2: {  	[smem:$0x3F96] =	sst lr;
	_ =	strace $0xD0000000  }
0x3: {  	_ = 	snop  }
0x4: {  	_ = 	snop  }
0x5: {  	_ = 	snop  }
0x6: {  	_ = 	snop  }
0x7: {  	_ = 	snop  }
__scs_overlays_trampoline_lowered:
0x8: {  	[smem:$0x3FA5] =	sst s0  }
0x9: {  	[smem:$0x3FA6] =	sst s1  }
0xa: {  	[smem:$0x3FA7] =	sst s2  }
0xb: {  	[smem:$0x3FA8] =	sst s3  }
0xc: {  	[smem:$0x3FA9] =	sst s4  }
0xd: {  	[smem:$0x3FAA] =	sst s5  }
0xe: {  	[smem:$0x3FAB] =	sst s6  }
0xf: {  	[smem:$0x3FAC] =	sst s7  }
0x10: {  	[smem:$0x3FAD] =	sst s8  }
0x11: {  	[smem:$0x3FAE] =	sst s9;
	s0 =	simm.s32 @!p0 $0x0  }
0x12: {  	s1 =	sld [smem:$0x3F94];
	s0 =	simm.s32 @p0 $0x1  }
0x13: {  	[smem:$0x3FAF] =	sst s0;
	s0 =	simm.s32 @!p1 $0x0  }
0x14: {  	s2 =	sld [smem:$0x3F93];
	s0 =	simm.s32 @p1 $0x1  }
0x15: {  	[smem:$0x3FB0] =	sst s0;
	s0 =	simm.s32 @!p2 $0x0  }
0x16: {  	s3 =	sld [smem:$0x3FDB];
	s0 =	simm.s32 @p2 $0x1  }
0x17: {  	s4 =	simm.s32 $0x1BF5;
	[smem:$0x3FB2] =	sst s0  }
0x18: {  	s0 =	sld [smem:$0x3F95];
	_ =	swait.ge [sflag:s4], $0x0  }
0x19: {  	s7 =	sld [smem:$0x3F96]  }
0x1a: {  	s8 =	sadd.s32 $0xFFFFE003, lr  }
0x1b: {  	s9 =	sadd.s32 $0xFFFFFEF7, lr;
	s5 =	simm.s32 $0xFFFFFFFF;
	p2 =	slt.u32 s8, $0xFFFFF086  }
0x1c: {  	p1 =	slt.u32 s9, $0xF7A;
	s5 =	simm.s32 @!p2 $0x0  }
0x1d: {  	s5 =	simm.s32 @p1 $0x1;
	p0 =	seq.s32 s7, s2  }
0x1e: {  	s7 =	smul.u32 @!p0 $0xF7A, s2;
	p2 =	seq.s32 @!p0 s5, $0x0  }
0x1f: {  	s9 =	smul.u32 $0xF7A, s1;
	s8 =	simm.s32 @!p0 $0x1BF5;
	p2 =	por !p2, p0  }
0x20: {  	[sflag:s8] =	ssyncset.s32 @!p0 $0xFFFFF086;
	s6 =	sadd.s32 @!p0 s3, s7;
	s7 =	simm.s32 @!p0 $0x108  }
0x21: {  	s3 =	sadd.s32 s3, s9;
	s6 =	sadd.s32 @!p0 $0x88, s6;
	s7 =	simm.s32 @p2 $0x1082  }
0x22: {  	[simem:s7], [sflag:s8] =	dma.local @!p0 [hbm:s6], $0xF7A  }
0x23: {  	s9 =	sor.u32 $0xD0000000, s2;
	s6 =	simm.s32 $0x108;
	_ =	swait.ge @!p0 [sflag:s8], $0x0  }
0x24: {  	s3 =	sadd.s32 $0x88, s3;
	s6 =	simm.s32 @!p1 $0x1082;
	[sflag:s4] =	ssyncset.s32 $0xFFFFF086  }
0x25: {  	[simem:s6], [sflag:s4] =	dma.local [hbm:s3], $0xF7A  }
0x26: {  	[smem:$0x3F96] =	sst s1;
	(tag) =	ssettag s2;
	_ =	strace s9  }
0x27: {  	s1 =	sld [smem:$0x3FA6]  }
0x28: {  	s2 =	sld [smem:$0x3FA7]  }
0x29: {  	s4 =	sld [smem:$0x3FA9]  }
0x2a: {  	p0 =	seq.s32 s5, $0x0;
	s5 =	sld [smem:$0x3FAA]  }
0x2b: {  	s6 =	sld [smem:$0x3FAB]  }
0x2c: {  	s7 =	sld [smem:$0x3FAC]  }
0x2d: {  	s3 =	simm.s32 $0x108;
	s8 =	sld [smem:$0x3FAD]  }
0x2e: {  	s3 =	simm.s32 @!p0 $0x1082;
	s9 =	sld [smem:$0x3FAE]  }
0x2f: {  	lr =	sadd.s32 s0, s3;
	s0 =	sld [smem:$0x3FA5]  }
0x30: {  	s3 =	sld [smem:$0x3FA8]  }
0x31: {  	[smem:$0x3FB1] =	sst s10  }
0x32: {  	s10 =	sld [smem:$0x3FAF];
	_ =	sdelay $0x3  }
0x33: {  	p0 =	seq.s32 s10, $0x1;
	s10 =	sld [smem:$0x3FB1];
	_ =	sdelay $0x3  }
0x34: {  	[smem:$0x3FB1] =	sst s10  }
0x35: {  	s10 =	sld [smem:$0x3FB0];
	_ =	sdelay $0x3  }
0x36: {  	p1 =	seq.s32 s10, $0x1;
	s10 =	sld [smem:$0x3FB1];
	_ =	sdelay $0x3  }
0x37: {  	[smem:$0x3FB1] =	sst s10  }
0x38: {  	s10 =	sld [smem:$0x3FB2]  }
0x39: {  	_ = 	snop;
	(pc) =	sbr.ind lr, $3  }
0x3a: {  	_ = 	snop  }
0x3b: {  	_ = 	snop  }
0x3c: {  	p2 =	seq.s32 s10, $0x1;
	s10 =	sld [smem:$0x3FB1]  }
0x3d: {  	_ =	shalt  }
0x3e: {  	_ =	shalt  }
0x3f: {  	_ =	shalt  }
0x40: {  	_ =	shalt  }
0x41: {  	_ =	shalt  }
0x42: {  	_ =	shalt  }
0x43: {  	_ =	shalt  }
0x44: {  	_ =	shalt  }
0x45: {  	_ =	shalt  }
0x46: {  	_ =	shalt  }
0x47: {  	_ =	shalt  }
0x48: {  	_ =	shalt  }
0x49: {  	_ =	shalt  }
0x4a: {  	_ =	shalt  }
0x4b: {  	_ =	shalt  }
0x4c: {  	_ =	shalt  }
0x4d: {  	_ =	shalt  }
0x4e: {  	_ =	shalt  }
0x4f: {  	_ =	shalt  }
0x50: {  	_ =	shalt  }
0x51: {  	_ =	shalt  }
0x52: {  	_ =	shalt  }
0x53: {  	_ =	shalt  }
0x54: {  	_ =	shalt  }
0x55: {  	_ =	shalt  }
0x56: {  	_ =	shalt  }
0x57: {  	_ =	shalt  }
0x58: {  	_ =	shalt  }
0x59: {  	_ =	shalt  }
0x5a: {  	_ =	shalt  }
0x5b: {  	_ =	shalt  }
0x5c: {  	_ =	shalt  }
0x5d: {  	_ =	shalt  }
0x5e: {  	_ =	shalt  }
0x5f: {  	_ =	shalt  }
0x60: {  	_ =	shalt  }
0x61: {  	_ =	shalt  }
0x62: {  	_ =	shalt  }
0x63: {  	_ =	shalt  }
0x64: {  	_ =	shalt  }
0x65: {  	_ =	shalt  }
0x66: {  	_ =	shalt  }
0x67: {  	_ =	shalt  }
0x68: {  	_ =	shalt  }
0x69: {  	_ =	shalt  }
0x6a: {  	_ =	shalt  }
0x6b: {  	_ =	shalt  }
0x6c: {  	_ =	shalt  }
0x6d: {  	_ =	shalt  }
0x6e: {  	_ =	shalt  }
0x6f: {  	_ =	shalt  }
0x70: {  	_ =	shalt  }
0x71: {  	_ =	shalt  }
0x72: {  	_ =	shalt  }
0x73: {  	_ =	shalt  }
0x74: {  	_ =	shalt  }
0x75: {  	_ =	shalt  }
0x76: {  	_ =	shalt  }
0x77: {  	_ =	shalt  }
0x78: {  	_ =	shalt  }
0x79: {  	_ =	shalt  }
0x7a: {  	_ =	shalt  }
0x7b: {  	_ =	shalt  }
0x7c: {  	_ =	shalt  }
0x7d: {  	_ =	shalt  }
0x7e: {  	_ =	shalt  }
0x7f: {  	_ =	shalt  }
0x80: {  	_ =	shalt  }
0x81: {  	_ =	shalt  }
0x82: {  	_ =	shalt  }
0x83: {  	_ =	shalt  }
0x84: {  	_ =	shalt  }
0x85: {  	_ =	shalt  }
0x86: {  	_ =	shalt  }
0x87: {  	_ =	shalt  }
.Lfunc_end0:
.L_simem_size_0:
called_computation.3_lowered:
.L_overlay_start_0:
0x88: {  	s2 =	sld [smem:$0x3FD9]  }
0x89: {  	s3 =	sld [smem:$0x3FFE];
	_ =	sdelay $0x1  }
0x8a: {  	s1 =	srdreg.scid  }
0x8b: {  	s0 =	sand.u32 $0x1, s1  }
0x8c: {  	s16 =	sshll.u32 s0, $0xA;
	s2 =	sadd.s32 s3, s2  }
0x8d: {  	s2 =	sadd.s32 s2, s16  }
0x8e: {  	[smem:$0x3FBD] =	sst s2  }
0x8f: {  	_ = 	snop  }
0x90: {  	(tm) =	ssettm $0x1  }
0x91: {  	s17 =	sld [smem:$0x3FFB];
	_ =	sdelay $0x3  }
0x92: {  	_ =	strace s17  }
0x93: {  	s2 =	sld [smem:$0x3FFC];
	_ =	sdelay $0x3  }
0x94: {  	_ =	strace s2  }
0x95: {  	s2 =	sld [smem:$0x3FFD];
	_ =	sdelay $0x3  }
0x96: {  	_ =	strace s2  }
0x97: {  	_ =	strace $0x8FFFFFFF  }
0x98: {  	s18 =	sld [smem:$0x3FDB];
	_ =	sdelay $0x1  }
0x99: {  	s19 =	simm.s32 $_scs_section_size  }
0x9a: {  	s4 =	simm.s32 $_size__tile_overlayer_lowered;
	s5 =	simm.s32 $_tile_overlayer_lowered  }
0x9b: {  	s22 =	simm.s32 $0x1BFF;
	s21 =	sshll.u32 s5, $0x1;
	s2 =	sadd.s32 s19, s18  }
0x9c: {  	s6 =	simm.s32 $0x0;
	s20 =	sshll.u32 s4, $0x1;
	s4 =	sadd.s32 s21, s2  }
0x9d: {  	[timem:s6], [sflag:s22] =	dma.local [hbm:s4], s20  }
0x9e: {  	_ =	swait.ge [sflag:s22], s20  }
0x9f: {  	s3 =	ssub.s32 $0x0, s20;
	[sflag:s22] =	ssyncset.done $0x0  }
0xa0: {  	[sflag:s22] =	ssyncadd.s32 s3;
	_ =	sdelay $0x1  }
0xa1: {  	s23 =	simm.s32 $0x1B8B  }
0xa2: {  	_ =	swait.ge [sflag:s23], $0x1  }
0xa3: {  	[sflag:s23] =	ssyncset.done $0x0  }
0xa4: {  	s25 =	simm.s32 $0x1B8E;
	s24 =	sld [smem:$0x3FFE];
	[sflag:s23] =	ssyncadd.s32 $0xFFFFFFFF  }
0xa5: {  	s26 =	simm.s32 $execute0_lowered;
	[smem:$0x3FD2] =	sst s25  }
0xa6: {  	s4 =	sshll.u32 s26, $0x1;
	_ =	strace $0x8000004F;
	[dreg:$0x1] =	wrdreg $0xFFFFFFFF  }
0xa7: {  	s28 =	simm.s32 $_size_execute0_lowered;
	s2 =	sadd.s32 s2, s4;
	[dreg:$0x0] =	wrdreg $0x0  }
0xa8: {  	s4 =	sshll.u32 s28, $0x1;
	[dreg:$0x2] =	wrdreg s2  }
0xa9: {  	[dreg:$0x3] =	wrdreg s4  }
0xaa: {  	[dreg:$0x4] =	wrdreg $0xC0  }
0xab: {  	_ =	task [dreg:s6], $0x5FFFF  }
0xac: {  	[dreg:$0x1] =	wrdreg $0xFFFFFFFF  }
0xad: {  	[dreg:$0x0] =	wrdreg $0x60  }
0xae: {  	[dreg:$0x2] =	wrdreg s24  }
0xaf: {  	[dreg:$0x3] =	wrdreg $0x60000  }
0xb0: {  	[dreg:$0x4] =	wrdreg $0x9  }
0xb1: {  	_ =	task.clear_ibuf [dreg:s6], $0x5FFFF;
	_ =	strace $0x9000004F  }
0xb2: {  	s29 =	simm.s32 $0x9;
	_ =	strace $0x80000051  }
0xb3: {  	_ =	swait.ge [sflag:s29], $0x1  }
0xb4: {  	[sflag:s29] =	ssyncadd.s32 $0xFFFFFFFF  }
0xb5: {  	_ =	strace $0x90000051  }
0xb6: {  	_ =	sfence  }
0xb7: {  	s30 =	sld [smem:$0x0];
	_ =	sdelay $0x2  }
0xb8: {  	s31 =	sshll.u32 s1, $0xD;
	s1 =	sshrl.u32 s1, $0x2  }
0xb9: {  	s3 =	sand.u32 $0x4000, s31;
	s1 =	sadd.s32 s1, s30  }
0xba: {  	s0 =	sor.u32 s3, s0;
	s1 =	sshll.u32 s1, $0x11  }
0xbb: {  	s0 =	sor.u32 s1, s0  }
0xbc: {  	s0 =	sadd.s32 $0x8F2B, s0  }
0xbd: {  	[sflag:s0] =	ssyncadd.remote.s32 $0x1  }
0xbe: {  	_ =	sfence.sel $0xFFFF  }
0xbf: {  	[dreg:$0x0] =	wrdreg $0xFFFFFFFF;
	(pc) =	sbr.abs _section_cstart, $3  }
0xc0: {  	[dreg:$0x1] =	wrdreg $0xFFFFFFFF  }
0xc1: {  	_ =	task.clear_ibuf [dreg:s6], $0x2FFFF;
	_ =	strace $0x9FFFFFFF  }
0xc2: {  	(tm) =	ssettm $0x7FFFFFFF  }
0xc3: {  	_ =	shalt  }
tec
execute0_lowered:
.L_overlay_start_1:
0x0: {  	(tag) =	ssettag $0x1  }
0x1: {  	s6 =	rddreg [dreg:$0x0]  }
0x2: {  	s0 =	srdreg.scid;
	s2 =	rddreg [dreg:$0x1]  }
0x3: {  	s3 =	simm.s32 $0x0;
	s14 =	simm.s32 $0x80;
	s15 =	simm.s32 $0x5000  }
0x4: {  	s16 =	simm.s32 $0x1;
	s5 =	sand.u32 $0x1, s0;
	s0 =	stileid.u32  }
0x5: {  	s17 =	simm.s32 $0x0;
	[smem:$0x7FF] =	sst s3;
	s7 =	smul.u32 $0x5000, s0  }
0x6: {  	s1 =	sshll.u32 s5, $0x4;
	s8 =	smul.u32 $0x50000, s5;
	s5 =	ssub.s32 $0x2, s5  }
0x7: {  	s31 =	sshll.u32 s0, $0x6;
	s1 =	sor.u32 s0, s1;
	s11 =	sshrl.u32 s5, $0x1  }
0x8: {  	s4 =	smul.u32 $0x500, s1;
	s1 =	rddreg [dreg:$0x2];
	_ =	strace $0x80000050  }
0x9: {  	s8 =	sadd.s32 s7, s8;
	s10 =	sshrl.u32 s7, $0x3;
	s11 =	ssub.s32 s5, s11  }
0xa: {  	s13 =	sadd.s32 s7, s2;
	s8 =	sshrl.u32 s8, $0x3;
	s10 =	sadd.s32 s10, s6  }
0xb: {  	s9 =	sadd.s32 s4, s6;
	s4 =	sadd.s32 $0x19200, s6;
	s12 =	sadd.s32 s8, s6  }
0xc: {  	s5 =	sadd.s32 $0x23200, s10;
	s6 =	sor.u32 $0x1C02, s31;
	s10 =	smax.u32 s11, $0x1  }
0xd: {  	s11 =	sshrl.u32 s13, $0x3;
	s13 =	simm.s32 $0x2800;
	s7 =	sadd.s32 $0x4C00, s9  }
0xe: {  	s8 =	sadd.s32 $0xEC00, s9;
	s9 =	sadd.s32 $0x55200, s12;
	s12 =	simm.s32 $0x2  }
.LBB2_1:
0xf: {  	[spmem:s11], [sflag:s6] =	dma.local [hbm:s5], $0xA00  }
0x10: {  	_ =	swait.ge [sflag:s12], $0xA00  }
0x11: {  	[sflag:s12] =	ssyncset.done $0x0  }
0x12: {  	[sflag:s12] =	ssyncadd.s32 $0xFFFFF600  }
0x13: {  	[tilespmem:s3], [sflag:$0x2] =	stream.linear.gather [hbm4b:s7+s3], $0x2800, $0x38;
	[tilespmem:$0xB000] =	vst v63  }
0x14: {  	_ =	swait.ge [sflag:s12], $0x2800  }
0x15: {  	[sflag:s12] =	ssyncset.done $0x0  }
0x16: {  	[sflag:s12] =	ssyncadd.s32 $0xFFFFD800  }
0x17: {  	[tilespmem:s13], [sflag:$0x2] =	stream.linear.gather [hbm4b:s8+s3], $0x2800, $0x38;
	[tilespmem:$0xB000] =	vst v63  }
0x18: {  	_ =	swait.ge [sflag:s12], $0x2800  }
0x19: {  	[sflag:s12] =	ssyncset.done $0x0  }
0x1a: {  	[sflag:s12] =	ssyncadd.s32 $0xFFFFD800  }
0x1b: {  	s18 =	simm.s32 $0x0;
	[bflag:$0x0] =	sbarrier.arrive $0xFFFF  }
0x1c: {  	[tilespmem:s15], [sflag:$0x1] =	stream.indirect.gather [hbm4b:s4+s14], $0x20, s18, s14, $0xb8;
	[tilespmem:$0xB000] =	vst v63  }
0x1d: {  	_ =	swait.ge [sflag:s16], $0x1000  }
0x1e: {  	[sflag:s16] =	ssyncset.done $0x0  }
0x1f: {  	s31 =	simm.s32 $0x2800;
	[sflag:s16] =	ssyncadd.s32 $0xFFFFF000  }
0x20: {  	[spmem:s2] =	stream.indirect.scatter.add.f32 [tilespmem:s15], [sflag:$0x2], $0x20, s31, s14, $0xb8;
	[tilespmem:$0xB000] =	vst v63  }
0x21: {  	_ =	swait.ge [sflag:s12], $0x1000  }
0x22: {  	s19 =	simm.s32 $0x400;
	s18 =	simm.s32 $0x200;
	[sflag:s12] =	ssyncset.done $0x0  }
.LBB2_2:
0x23: {  	s20 =	sshra.s32 s18, $0x2  }
0x24: {  	[sflag:s12] =	ssyncadd.s32 $0xFFFFF000;
	s18 =	smov.u32 s19;
	s21 =	sadd.s32 $0x200, s19  }
0x25: {  	[tilespmem:s15], [sflag:$0x1] =	stream.indirect.gather [hbm4b:s4+s14], $0x20, s20, s14, $0xb8;
	[tilespmem:$0xB000] =	vst v63  }
0x26: {  	p0 =	sne.s32 s19, $0x9E00;
	_ =	swait.ge [sflag:s16], $0x1000  }
.Ltmp0:
0x27: {  	[sflag:s16] =	ssyncset.done $0x0;
	(pc) =	sbr.rel @p0 .LBB2_2-.Ltmp0, $4  }
0x28: {  	s19 =	sadd.s32 $0x2800, s20;
	[sflag:s16] =	ssyncadd.s32 $0xFFFFF000  }
0x29: {  	[spmem:s2] =	stream.indirect.scatter.add.f32 [tilespmem:s15], [sflag:$0x2], $0x20, s19, s14, $0xb8;
	[tilespmem:$0xB000] =	vst v63  }
0x2a: {  	_ =	swait.ge [sflag:s12], $0x1000  }
0x2b: {  	s19 =	smov.u32 s21;
	[sflag:s12] =	ssyncset.done $0x0  }
0x2c: {  	s18 =	sshra.s32 s18, $0x2;
	[sflag:s12] =	ssyncadd.s32 $0xFFFFF000  }
0x2d: {  	[tilespmem:s15], [sflag:$0x1] =	stream.indirect.gather [hbm4b:s4+s14], $0x20, s18, s14, $0xb8;
	[tilespmem:$0xB000] =	vst v63  }
0x2e: {  	_ =	swait.ge [sflag:s16], $0x1000  }
0x2f: {  	[sflag:s16] =	ssyncset.done $0x0  }
0x30: {  	s18 =	sadd.s32 $0x2800, s18;
	[sflag:s16] =	ssyncadd.s32 $0xFFFFF000  }
0x31: {  	[spmem:s2] =	stream.indirect.scatter.add.f32 [tilespmem:s15], [sflag:$0x2], $0x20, s18, s14, $0xb8;
	[tilespmem:$0xB000] =	vst v63  }
0x32: {  	_ =	swait.ge [sflag:s12], $0x1000  }
0x33: {  	s17 =	sadd.s32 $0x1, s17;
	[sflag:s12] =	ssyncset.done $0x0  }
0x34: {  	p0 =	sne.s32 s17, s10;
	[sflag:s12] =	ssyncadd.s32 $0xFFFFF000  }
.Ltmp1:
0x35: {  	[bflag:$0x0] =	sbarrier.arrive $0xFFFF;
	(pc) =	sbr.rel @p0 .LBB2_1-.Ltmp1, $4  }
0x36: {  	[hbm:s9], [sflag:s6] =	dma.local [spmem:s11], $0xA00  }
0x37: {  	_ =	swait.ge [sflag:s12], $0xA00  }
0x38: {  	[sflag:s12] =	ssyncset.done $0x0  }
0x39: {  	[sflag:s12] =	ssyncadd.s32 $0xFFFFF600  }
0x3a: {  	_ =	sfence.sel $0x180000  }
0x3b: {  	[bflag:$0x0] =	sbarrier.arrive $0xFFFF  }
0x3c: {  	p0 =	sne.s32 s0, $0x0;
	_ =	strace $0x90000050  }
0x3d: {  	s0 =	sadd.s32 @!p0 $0x100000, s1;
	[bflag:$0x2] =	sbarrier.arrive $0xFFFF  }
0x3e: {  	[sflag:s0] =	ssyncadd.tile.s32 @!p0 $0x1;
	_ =	shalt  }
.Lfunc_end2:
_tile_overlayer_lowered:
.L_overlay_start_2:
0x3f: {  	(tag) =	ssettag $0x2  }
0x40: {  	s0 =	rddreg [dreg:$0x0];
	s2 =	stileid.u32  }
0x41: {  	s1 =	rddreg [dreg:$0x1];
	p0 =	sne.s32 s2, $0x0  }
0x42: {  	s3 =	rddreg [dreg:$0x2];
	[bflag:$0x3] =	sbarrier.arrive $0xFFFF;
	s2 =	simm.s32 @!p0 $0x1C02  }
0x43: {  	[timem:s3], [sflag:s2] =	dma.local @!p0 [hbm:s0], s1  }
0x44: {  	s0 =	simm.s32 @!p0 $0x2  }
0x45: {  	_ =	swait.ge @!p0 [sflag:s0], s1  }
0x46: {  	s1 =	ssub.s32 @!p0 $0x0, s1;
	[sflag:s0] =	ssyncset.done @!p0 $0x0  }
0x47: {  	[sflag:s0] =	ssyncadd.s32 @!p0 s1  }
0x48: {  	[bflag:$0x3] =	sbarrier.arrive $0xFFFF  }
0x49: {  	_ =	shalt  }

// kernel: kernel.24.cloned.1.call-start
scs
__scs_entry_jumppad:
0x0: {  	(pc) =	sbr.rel $0x88, $3  }
0x1: {  	(tag) =	ssettag $0x0;
	lr =	simm.s32 $0x1  }
0x2: {  	[smem:$0x3F96] =	sst lr;
	_ =	strace $0xD0000000  }
0x3: {  	_ = 	snop  }
0x4: {  	_ = 	snop  }
0x5: {  	_ = 	snop  }
0x6: {  	_ = 	snop  }
0x7: {  	_ = 	snop  }
__scs_overlays_trampoline_lowered:
0x8: {  	[smem:$0x3FA5] =	sst s0  }
0x9: {  	[smem:$0x3FA6] =	sst s1  }
0xa: {  	[smem:$0x3FA7] =	sst s2  }
0xb: {  	[smem:$0x3FA8] =	sst s3  }
0xc: {  	[smem:$0x3FA9] =	sst s4  }
0xd: {  	[smem:$0x3FAA] =	sst s5  }
0xe: {  	[smem:$0x3FAB] =	sst s6  }
0xf: {  	[smem:$0x3FAC] =	sst s7  }
0x10: {  	[smem:$0x3FAD] =	sst s8  }
0x11: {  	[smem:$0x3FAE] =	sst s9;
	s0 =	simm.s32 @!p0 $0x0  }
0x12: {  	s1 =	sld [smem:$0x3F94];
	s0 =	simm.s32 @p0 $0x1  }
0x13: {  	[smem:$0x3FAF] =	sst s0;
	s0 =	simm.s32 @!p1 $0x0  }
0x14: {  	s2 =	sld [smem:$0x3F93];
	s0 =	simm.s32 @p1 $0x1  }
0x15: {  	[smem:$0x3FB0] =	sst s0;
	s0 =	simm.s32 @!p2 $0x0  }
0x16: {  	s3 =	sld [smem:$0x3FDB];
	s0 =	simm.s32 @p2 $0x1  }
0x17: {  	s4 =	simm.s32 $0x1BF5;
	[smem:$0x3FB2] =	sst s0  }
0x18: {  	s0 =	sld [smem:$0x3F95];
	_ =	swait.ge [sflag:s4], $0x0  }
0x19: {  	s7 =	sld [smem:$0x3F96]  }
0x1a: {  	s8 =	sadd.s32 $0xFFFFE003, lr  }
0x1b: {  	s9 =	sadd.s32 $0xFFFFFEF7, lr;
	s5 =	simm.s32 $0xFFFFFFFF;
	p2 =	slt.u32 s8, $0xFFFFF086  }
0x1c: {  	p1 =	slt.u32 s9, $0xF7A;
	s5 =	simm.s32 @!p2 $0x0  }
0x1d: {  	s5 =	simm.s32 @p1 $0x1;
	p0 =	seq.s32 s7, s2  }
0x1e: {  	s7 =	smul.u32 @!p0 $0xF7A, s2;
	p2 =	seq.s32 @!p0 s5, $0x0  }
0x1f: {  	s9 =	smul.u32 $0xF7A, s1;
	s8 =	simm.s32 @!p0 $0x1BF5;
	p2 =	por !p2, p0  }
0x20: {  	[sflag:s8] =	ssyncset.s32 @!p0 $0xFFFFF086;
	s6 =	sadd.s32 @!p0 s3, s7;
	s7 =	simm.s32 @!p0 $0x108  }
0x21: {  	s3 =	sadd.s32 s3, s9;
	s6 =	sadd.s32 @!p0 $0x88, s6;
	s7 =	simm.s32 @p2 $0x1082  }
0x22: {  	[simem:s7], [sflag:s8] =	dma.local @!p0 [hbm:s6], $0xF7A  }
0x23: {  	s9 =	sor.u32 $0xD0000000, s2;
	s6 =	simm.s32 $0x108;
	_ =	swait.ge @!p0 [sflag:s8], $0x0  }
0x24: {  	s3 =	sadd.s32 $0x88, s3;
	s6 =	simm.s32 @!p1 $0x1082;
	[sflag:s4] =	ssyncset.s32 $0xFFFFF086  }
0x25: {  	[simem:s6], [sflag:s4] =	dma.local [hbm:s3], $0xF7A  }
0x26: {  	[smem:$0x3F96] =	sst s1;
	(tag) =	ssettag s2;
	_ =	strace s9  }
0x27: {  	s1 =	sld [smem:$0x3FA6]  }
0x28: {  	s2 =	sld [smem:$0x3FA7]  }
0x29: {  	s4 =	sld [smem:$0x3FA9]  }
0x2a: {  	p0 =	seq.s32 s5, $0x0;
	s5 =	sld [smem:$0x3FAA]  }
0x2b: {  	s6 =	sld [smem:$0x3FAB]  }
0x2c: {  	s7 =	sld [smem:$0x3FAC]  }
0x2d: {  	s3 =	simm.s32 $0x108;
	s8 =	sld [smem:$0x3FAD]  }
0x2e: {  	s3 =	simm.s32 @!p0 $0x1082;
	s9 =	sld [smem:$0x3FAE]  }
0x2f: {  	lr =	sadd.s32 s0, s3;
	s0 =	sld [smem:$0x3FA5]  }
0x30: {  	s3 =	sld [smem:$0x3FA8]  }
0x31: {  	[smem:$0x3FB1] =	sst s10  }
0x32: {  	s10 =	sld [smem:$0x3FAF];
	_ =	sdelay $0x3  }
0x33: {  	p0 =	seq.s32 s10, $0x1;
	s10 =	sld [smem:$0x3FB1];
	_ =	sdelay $0x3  }
0x34: {  	[smem:$0x3FB1] =	sst s10  }
0x35: {  	s10 =	sld [smem:$0x3FB0];
	_ =	sdelay $0x3  }
0x36: {  	p1 =	seq.s32 s10, $0x1;
	s10 =	sld [smem:$0x3FB1];
	_ =	sdelay $0x3  }
0x37: {  	[smem:$0x3FB1] =	sst s10  }
0x38: {  	s10 =	sld [smem:$0x3FB2]  }
0x39: {  	_ = 	snop;
	(pc) =	sbr.ind lr, $3  }
0x3a: {  	_ = 	snop  }
0x3b: {  	_ = 	snop  }
0x3c: {  	p2 =	seq.s32 s10, $0x1;
	s10 =	sld [smem:$0x3FB1]  }
0x3d: {  	_ =	shalt  }
0x3e: {  	_ =	shalt  }
0x3f: {  	_ =	shalt  }
0x40: {  	_ =	shalt  }
0x41: {  	_ =	shalt  }
0x42: {  	_ =	shalt  }
0x43: {  	_ =	shalt  }
0x44: {  	_ =	shalt  }
0x45: {  	_ =	shalt  }
0x46: {  	_ =	shalt  }
0x47: {  	_ =	shalt  }
0x48: {  	_ =	shalt  }
0x49: {  	_ =	shalt  }
0x4a: {  	_ =	shalt  }
0x4b: {  	_ =	shalt  }
0x4c: {  	_ =	shalt  }
0x4d: {  	_ =	shalt  }
0x4e: {  	_ =	shalt  }
0x4f: {  	_ =	shalt  }
0x50: {  	_ =	shalt  }
0x51: {  	_ =	shalt  }
0x52: {  	_ =	shalt  }
0x53: {  	_ =	shalt  }
0x54: {  	_ =	shalt  }
0x55: {  	_ =	shalt  }
0x56: {  	_ =	shalt  }
0x57: {  	_ =	shalt  }
0x58: {  	_ =	shalt  }
0x59: {  	_ =	shalt  }
0x5a: {  	_ =	shalt  }
0x5b: {  	_ =	shalt  }
0x5c: {  	_ =	shalt  }
0x5d: {  	_ =	shalt  }
0x5e: {  	_ =	shalt  }
0x5f: {  	_ =	shalt  }
0x60: {  	_ =	shalt  }
0x61: {  	_ =	shalt  }
0x62: {  	_ =	shalt  }
0x63: {  	_ =	shalt  }
0x64: {  	_ =	shalt  }
0x65: {  	_ =	shalt  }
0x66: {  	_ =	shalt  }
0x67: {  	_ =	shalt  }
0x68: {  	_ =	shalt  }
0x69: {  	_ =	shalt  }
0x6a: {  	_ =	shalt  }
0x6b: {  	_ =	shalt  }
0x6c: {  	_ =	shalt  }
0x6d: {  	_ =	shalt  }
0x6e: {  	_ =	shalt  }
0x6f: {  	_ =	shalt  }
0x70: {  	_ =	shalt  }
0x71: {  	_ =	shalt  }
0x72: {  	_ =	shalt  }
0x73: {  	_ =	shalt  }
0x74: {  	_ =	shalt  }
0x75: {  	_ =	shalt  }
0x76: {  	_ =	shalt  }
0x77: {  	_ =	shalt  }
0x78: {  	_ =	shalt  }
0x79: {  	_ =	shalt  }
0x7a: {  	_ =	shalt  }
0x7b: {  	_ =	shalt  }
0x7c: {  	_ =	shalt  }
0x7d: {  	_ =	shalt  }
0x7e: {  	_ =	shalt  }
0x7f: {  	_ =	shalt  }
0x80: {  	_ =	shalt  }
0x81: {  	_ =	shalt  }
0x82: {  	_ =	shalt  }
0x83: {  	_ =	shalt  }
0x84: {  	_ =	shalt  }
0x85: {  	_ =	shalt  }
0x86: {  	_ =	shalt  }
0x87: {  	_ =	shalt  }
.Lfunc_end0:
.L_simem_size_0:
called_computation.4_lowered:
.L_overlay_start_0:
0x88: {  	s2 =	sld [smem:$0x3FD9]  }
0x89: {  	s3 =	sld [smem:$0x3FFE];
	_ =	sdelay $0x1  }
0x8a: {  	s1 =	srdreg.scid  }
0x8b: {  	s0 =	sand.u32 $0x1, s1  }
0x8c: {  	s16 =	sshll.u32 s0, $0xA;
	s2 =	sadd.s32 s3, s2  }
0x8d: {  	s2 =	sadd.s32 s2, s16  }
0x8e: {  	[smem:$0x3FBD] =	sst s2  }
0x8f: {  	_ = 	snop  }
0x90: {  	(tm) =	ssettm $0x1  }
0x91: {  	s17 =	sld [smem:$0x3FFB];
	_ =	sdelay $0x3  }
0x92: {  	_ =	strace s17  }
0x93: {  	s2 =	sld [smem:$0x3FFC];
	_ =	sdelay $0x3  }
0x94: {  	_ =	strace s2  }
0x95: {  	s2 =	sld [smem:$0x3FFD];
	_ =	sdelay $0x3  }
0x96: {  	_ =	strace s2  }
0x97: {  	_ =	strace $0x8FFFFFFF  }
0x98: {  	s18 =	sld [smem:$0x3FDB];
	_ =	sdelay $0x1  }
0x99: {  	s19 =	simm.s32 $_scs_section_size  }
0x9a: {  	s4 =	simm.s32 $_size__tile_overlayer_lowered;
	s5 =	simm.s32 $_tile_overlayer_lowered  }
0x9b: {  	s22 =	simm.s32 $0x1BFF;
	s21 =	sshll.u32 s5, $0x1;
	s2 =	sadd.s32 s19, s18  }
0x9c: {  	s6 =	simm.s32 $0x0;
	s20 =	sshll.u32 s4, $0x1;
	s4 =	sadd.s32 s21, s2  }
0x9d: {  	[timem:s6], [sflag:s22] =	dma.local [hbm:s4], s20  }
0x9e: {  	_ =	swait.ge [sflag:s22], s20  }
0x9f: {  	s3 =	ssub.s32 $0x0, s20;
	[sflag:s22] =	ssyncset.done $0x0  }
0xa0: {  	[sflag:s22] =	ssyncadd.s32 s3;
	_ =	sdelay $0x1  }
0xa1: {  	s23 =	simm.s32 $0x1B8B  }
0xa2: {  	_ =	swait.ge [sflag:s23], $0x1  }
0xa3: {  	[sflag:s23] =	ssyncset.done $0x0  }
0xa4: {  	s25 =	simm.s32 $0x1B8E;
	s24 =	sld [smem:$0x3FFE];
	[sflag:s23] =	ssyncadd.s32 $0xFFFFFFFF  }
0xa5: {  	s26 =	simm.s32 $execute0_lowered;
	[smem:$0x3FD2] =	sst s25  }
0xa6: {  	s4 =	sshll.u32 s26, $0x1;
	_ =	strace $0x80000052;
	[dreg:$0x1] =	wrdreg $0xFFFFFFFF  }
0xa7: {  	s28 =	simm.s32 $_size_execute0_lowered;
	s2 =	sadd.s32 s2, s4;
	[dreg:$0x0] =	wrdreg $0x0  }
0xa8: {  	s4 =	sshll.u32 s28, $0x1;
	[dreg:$0x2] =	wrdreg s2  }
0xa9: {  	[dreg:$0x3] =	wrdreg s4  }
0xaa: {  	[dreg:$0x4] =	wrdreg $0xC0  }
0xab: {  	_ =	task [dreg:s6], $0x5FFFF  }
0xac: {  	[dreg:$0x1] =	wrdreg $0xFFFFFFFF  }
0xad: {  	[dreg:$0x0] =	wrdreg $0x60  }
0xae: {  	[dreg:$0x2] =	wrdreg s24  }
0xaf: {  	[dreg:$0x3] =	wrdreg $0x50800  }
0xb0: {  	[dreg:$0x4] =	wrdreg $0x9  }
0xb1: {  	_ =	task.clear_ibuf [dreg:s6], $0x5FFFF;
	_ =	strace $0x90000052  }
0xb2: {  	s29 =	simm.s32 $0x9;
	_ =	strace $0x80000054  }
0xb3: {  	_ =	swait.ge [sflag:s29], $0x1  }
0xb4: {  	[sflag:s29] =	ssyncadd.s32 $0xFFFFFFFF  }
0xb5: {  	_ =	strace $0x90000054  }
0xb6: {  	_ =	sfence  }
0xb7: {  	s30 =	sld [smem:$0x0];
	_ =	sdelay $0x2  }
0xb8: {  	s31 =	sshll.u32 s1, $0xD;
	s1 =	sshrl.u32 s1, $0x2  }
0xb9: {  	s3 =	sand.u32 $0x4000, s31;
	s1 =	sadd.s32 s1, s30  }
0xba: {  	s0 =	sor.u32 s3, s0;
	s1 =	sshll.u32 s1, $0x11  }
0xbb: {  	s0 =	sor.u32 s1, s0  }
0xbc: {  	s0 =	sadd.s32 $0x8F2B, s0  }
0xbd: {  	[sflag:s0] =	ssyncadd.remote.s32 $0x1  }
0xbe: {  	_ =	sfence.sel $0xFFFF  }
0xbf: {  	[dreg:$0x0] =	wrdreg $0xFFFFFFFF;
	(pc) =	sbr.abs _section_cstart, $3  }
0xc0: {  	[dreg:$0x1] =	wrdreg $0xFFFFFFFF  }
0xc1: {  	_ =	task.clear_ibuf [dreg:s6], $0x2FFFF;
	_ =	strace $0x9FFFFFFF  }
0xc2: {  	(tm) =	ssettm $0x7FFFFFFF  }
0xc3: {  	_ =	shalt  }
tec
execute0_lowered:
.L_overlay_start_1:
0x0: {  	(tag) =	ssettag $0x1  }
0x1: {  	s6 =	rddreg [dreg:$0x0]  }
0x2: {  	s0 =	srdreg.scid;
	s2 =	rddreg [dreg:$0x1]  }
0x3: {  	s3 =	simm.s32 $0x0;
	s14 =	simm.s32 $0x80;
	s15 =	simm.s32 $0x5000  }
0x4: {  	s16 =	simm.s32 $0x1;
	s5 =	sand.u32 $0x1, s0;
	s0 =	stileid.u32  }
0x5: {  	s17 =	simm.s32 $0x0;
	[smem:$0x7FF] =	sst s3;
	s7 =	smul.u32 $0x280, s0  }
0x6: {  	s1 =	sshll.u32 s5, $0x4;
	s8 =	smul.u32 $0x2800, s5;
	s5 =	ssub.s32 $0x2, s5  }
0x7: {  	s31 =	sshll.u32 s0, $0x6;
	s1 =	sor.u32 s0, s1;
	s11 =	sshrl.u32 s5, $0x1  }
0x8: {  	s4 =	smul.u32 $0x500, s1;
	s1 =	rddreg [dreg:$0x2];
	_ =	strace $0x80000053  }
0x9: {  	s8 =	sadd.s32 s7, s8;
	s10 =	sshrl.u32 s7, $0x3;
	s11 =	ssub.s32 s5, s11  }
0xa: {  	s13 =	sadd.s32 s7, s2;
	s8 =	sshrl.u32 s8, $0x3;
	s10 =	sadd.s32 s10, s6  }
0xb: {  	s9 =	sadd.s32 s4, s6;
	s4 =	sadd.s32 $0x19200, s6;
	s12 =	sadd.s32 s8, s6  }
0xc: {  	s5 =	sadd.s32 $0x18C00, s10;
	s6 =	sor.u32 $0x1C02, s31;
	s10 =	smax.u32 s11, $0x1  }
0xd: {  	s11 =	sshrl.u32 s13, $0x3;
	s13 =	simm.s32 $0x2800;
	s7 =	sadd.s32 $0x4C00, s9  }
0xe: {  	s8 =	sadd.s32 $0xEC00, s9;
	s9 =	sadd.s32 $0x19800, s12;
	s12 =	simm.s32 $0x2  }
.LBB2_1:
0xf: {  	[spmem:s11], [sflag:s6] =	dma.local [hbm:s5], $0x50  }
0x10: {  	_ =	swait.ge [sflag:s12], $0x50  }
0x11: {  	[sflag:s12] =	ssyncset.done $0x0  }
0x12: {  	[sflag:s12] =	ssyncadd.s32 $0xFFFFFFB0  }
0x13: {  	[tilespmem:s3], [sflag:$0x2] =	stream.linear.gather [hbm4b:s7+s3], $0x2800, $0x38;
	[tilespmem:$0x5300] =	vst v63  }
0x14: {  	_ =	swait.ge [sflag:s12], $0x2800  }
0x15: {  	[sflag:s12] =	ssyncset.done $0x0  }
0x16: {  	[sflag:s12] =	ssyncadd.s32 $0xFFFFD800  }
0x17: {  	[tilespmem:s13], [sflag:$0x2] =	stream.linear.gather [hbm4b:s8+s3], $0x2800, $0x38;
	[tilespmem:$0x5300] =	vst v63  }
0x18: {  	_ =	swait.ge [sflag:s12], $0x2800  }
0x19: {  	[sflag:s12] =	ssyncset.done $0x0  }
0x1a: {  	[sflag:s12] =	ssyncadd.s32 $0xFFFFD800  }
0x1b: {  	s18 =	simm.s32 $0x0;
	[bflag:$0x0] =	sbarrier.arrive $0xFFFF  }
0x1c: {  	[tilespmem:s15], [sflag:$0x1] =	stream.indirect.gather [hbm4b:s4+s14], $0x1, s18, s14, $0xb8;
	[tilespmem:$0x5300] =	vst v63  }
0x1d: {  	_ =	swait.ge [sflag:s16], $0x80  }
0x1e: {  	[sflag:s16] =	ssyncset.done $0x0  }
0x1f: {  	s31 =	simm.s32 $0x2800;
	[sflag:s16] =	ssyncadd.s32 $0xFFFFFF80  }
0x20: {  	[spmem:s2] =	stream.indirect.scatter.add.f32 [tilespmem:s15], [sflag:$0x2], $0x1, s31, s14, $0xb8;
	[tilespmem:$0x5300] =	vst v63  }
0x21: {  	_ =	swait.ge [sflag:s12], $0x80  }
0x22: {  	s19 =	simm.s32 $0x400;
	s18 =	simm.s32 $0x200;
	[sflag:s12] =	ssyncset.done $0x0  }
.LBB2_2:
0x23: {  	s20 =	sshra.s32 s18, $0x2  }
0x24: {  	[sflag:s12] =	ssyncadd.s32 $0xFFFFFF80;
	s18 =	smov.u32 s19;
	s21 =	sadd.s32 $0x200, s19  }
0x25: {  	[tilespmem:s15], [sflag:$0x1] =	stream.indirect.gather [hbm4b:s4+s14], $0x1, s20, s14, $0xb8;
	[tilespmem:$0x5300] =	vst v63  }
0x26: {  	p0 =	sne.s32 s19, $0x9E00;
	_ =	swait.ge [sflag:s16], $0x80  }
.Ltmp0:
0x27: {  	[sflag:s16] =	ssyncset.done $0x0;
	(pc) =	sbr.rel @p0 .LBB2_2-.Ltmp0, $4  }
0x28: {  	s19 =	sadd.s32 $0x2800, s20;
	[sflag:s16] =	ssyncadd.s32 $0xFFFFFF80  }
0x29: {  	[spmem:s2] =	stream.indirect.scatter.add.f32 [tilespmem:s15], [sflag:$0x2], $0x1, s19, s14, $0xb8;
	[tilespmem:$0x5300] =	vst v63  }
0x2a: {  	_ =	swait.ge [sflag:s12], $0x80  }
0x2b: {  	s19 =	smov.u32 s21;
	[sflag:s12] =	ssyncset.done $0x0  }
0x2c: {  	s18 =	sshra.s32 s18, $0x2;
	[sflag:s12] =	ssyncadd.s32 $0xFFFFFF80  }
0x2d: {  	[tilespmem:s15], [sflag:$0x1] =	stream.indirect.gather [hbm4b:s4+s14], $0x1, s18, s14, $0xb8;
	[tilespmem:$0x5300] =	vst v63  }
0x2e: {  	_ =	swait.ge [sflag:s16], $0x80  }
0x2f: {  	[sflag:s16] =	ssyncset.done $0x0  }
0x30: {  	s18 =	sadd.s32 $0x2800, s18;
	[sflag:s16] =	ssyncadd.s32 $0xFFFFFF80  }
0x31: {  	[spmem:s2] =	stream.indirect.scatter.add.f32 [tilespmem:s15], [sflag:$0x2], $0x1, s18, s14, $0xb8;
	[tilespmem:$0x5300] =	vst v63  }
0x32: {  	_ =	swait.ge [sflag:s12], $0x80  }
0x33: {  	s17 =	sadd.s32 $0x1, s17;
	[sflag:s12] =	ssyncset.done $0x0  }
0x34: {  	p0 =	sne.s32 s17, s10;
	[sflag:s12] =	ssyncadd.s32 $0xFFFFFF80  }
.Ltmp1:
0x35: {  	[bflag:$0x0] =	sbarrier.arrive $0xFFFF;
	(pc) =	sbr.rel @p0 .LBB2_1-.Ltmp1, $4  }
0x36: {  	[hbm:s9], [sflag:s6] =	dma.local [spmem:s11], $0x50  }
0x37: {  	_ =	swait.ge [sflag:s12], $0x50  }
0x38: {  	[sflag:s12] =	ssyncset.done $0x0  }
0x39: {  	[sflag:s12] =	ssyncadd.s32 $0xFFFFFFB0  }
0x3a: {  	_ =	sfence.sel $0x180000  }
0x3b: {  	[bflag:$0x0] =	sbarrier.arrive $0xFFFF  }
0x3c: {  	p0 =	sne.s32 s0, $0x0;
	_ =	strace $0x90000053  }
0x3d: {  	s0 =	sadd.s32 @!p0 $0x100000, s1;
	[bflag:$0x2] =	sbarrier.arrive $0xFFFF  }
0x3e: {  	[sflag:s0] =	ssyncadd.tile.s32 @!p0 $0x1;
	_ =	shalt  }
.Lfunc_end2:
_tile_overlayer_lowered:
.L_overlay_start_2:
0x3f: {  	(tag) =	ssettag $0x2  }
0x40: {  	s0 =	rddreg [dreg:$0x0];
	s2 =	stileid.u32  }
0x41: {  	s1 =	rddreg [dreg:$0x1];
	p0 =	sne.s32 s2, $0x0  }
0x42: {  	s3 =	rddreg [dreg:$0x2];
	[bflag:$0x3] =	sbarrier.arrive $0xFFFF;
	s2 =	simm.s32 @!p0 $0x1C02  }
0x43: {  	[timem:s3], [sflag:s2] =	dma.local @!p0 [hbm:s0], s1  }
0x44: {  	s0 =	simm.s32 @!p0 $0x2  }
0x45: {  	_ =	swait.ge @!p0 [sflag:s0], s1  }
0x46: {  	s1 =	ssub.s32 @!p0 $0x0, s1;
	[sflag:s0] =	ssyncset.done @!p0 $0x0  }
0x47: {  	[sflag:s0] =	ssyncadd.s32 @!p0 s1  }
0x48: {  	[bflag:$0x3] =	sbarrier.arrive $0xFFFF  }
0x49: {  	_ =	shalt  }

</sc_bundles>
